<compile_context>
chip_gen: v7x
topology: tpu7x:2x2x1
jax: 0.10.2.dev20260603
libtpu: 0.0.44.dev20260713+nightly
codegen_flags: <defaults>
</compile_context>

<pallas_src>
import functools

import jax
import jax.numpy as jnp
from jax import lax
from jax.experimental import pallas as pl
from jax.experimental.pallas import tpu as pltpu
from jax.experimental.pallas import tpu_sc as plsc

N = 10000
E = 320000
D = 128

NC = 2
NS = 16
NW = NC * NS

NPAD = 10240
RPT = NPAD // NS
EW = E // NW
CH = 80
NCH = EW // CH
CHH = 80
NCHH = EW // CHH

_mesh = plsc.VectorSubcoreMesh(core_axis_name="c", subcore_axis_name="s")


def _worker_id():
    return lax.axis_index("s") * NC + lax.axis_index("c")


@functools.partial(
    pl.kernel,
    mesh=_mesh,
    compiler_params=pltpu.CompilerParams(use_tc_tiling_on_sc=False),
    out_type=[
        jax.ShapeDtypeStruct((NC * NPAD,), jnp.float32),
        jax.ShapeDtypeStruct((NC * NPAD,), jnp.float32),
    ],
    scratch_types=[
        pltpu.VMEM((NCHH, CHH), jnp.int32),
        pltpu.VMEM((NCHH, CHH), jnp.int32),
        pltpu.VMEM((CHH,), jnp.float32),
        pltpu.VMEM_SHARED((NPAD,), jnp.float32),
        pltpu.VMEM_SHARED((NPAD,), jnp.float32),
        pltpu.SemaphoreType.DMA,
        pltpu.SemaphoreType.DMA,
    ],
)
def _hist_sc(src_hbm, dst_hbm, zeros_hbm, outs_hbm, outd_hbm,
             src_v, dst_v, ones_v, hs_sh, hd_sh, sa, sb):
    c = lax.axis_index("c")
    s = lax.axis_index("s")
    w = _worker_id()

    @pl.when(s == 0)
    def _():
        pltpu.sync_copy(zeros_hbm, hs_sh)
        pltpu.sync_copy(zeros_hbm, hd_sh)

    for j in range(CHH // 16):
        ones_v[pl.ds(j * 16, 16)] = jnp.ones((16,), jnp.float32)
    pltpu.sync_copy(src_hbm.at[w], src_v)
    pltpu.sync_copy(dst_hbm.at[w], dst_v)
    plsc.subcore_barrier()

    def body(j, carry):
        pltpu.async_copy(ones_v, hs_sh.at[src_v.at[j]], sa, add=True)
        pltpu.async_copy(ones_v, hd_sh.at[dst_v.at[j]], sb, add=True)
        return carry

    lax.fori_loop(0, NCHH, body, 0)

    def drain(j, carry):
        pltpu.make_async_copy(ones_v, hs_sh.at[src_v.at[0]], sa).wait()
        pltpu.make_async_copy(ones_v, hd_sh.at[dst_v.at[0]], sb).wait()
        return carry

    lax.fori_loop(0, NCHH, drain, 0)
    plsc.subcore_barrier()
    off = c * NPAD + s * RPT
    pltpu.sync_copy(hs_sh.at[pl.ds(s * RPT, RPT)], outs_hbm.at[pl.ds(off, RPT)])
    pltpu.sync_copy(hd_sh.at[pl.ds(s * RPT, RPT)], outd_hbm.at[pl.ds(off, RPT)])


@functools.partial(
    pl.kernel,
    mesh=_mesh,
    compiler_params=pltpu.CompilerParams(use_tc_tiling_on_sc=False),
    out_type=jax.ShapeDtypeStruct((NC * N, D), jnp.float32),
    scratch_types=[
        pltpu.VMEM((NCH, CH), jnp.int32),
        pltpu.VMEM((NCH, CH), jnp.int32),
        pltpu.VMEM((CH, D), jnp.float32),
        pltpu.VMEM((CH, D), jnp.float32),
        pltpu.VMEM((64, D), jnp.float32),
        pltpu.VMEM_SHARED((10000, D), jnp.float32),
        pltpu.SemaphoreType.DMA,
        pltpu.SemaphoreType.DMA,
        pltpu.SemaphoreType.DMA,
        pltpu.SemaphoreType.DMA,
    ],
)
def _agg_sc(g_hbm, src_hbm, dst_hbm, out_hbm,
            src_v, dst_v, rows0, rows1, zv, agg_sh, gs0, gs1, ss0, ss1):
    c = lax.axis_index("c")
    s = lax.axis_index("s")
    w = _worker_id()

    def zbody(i, carry):
        zv[i // 8, pl.ds((i % 8) * 16, 16)] = jnp.zeros((16,), jnp.float32)
        return carry

    lax.fori_loop(0, 64 * 8, zbody, 0)

    def zcopy(k, carry):
        pltpu.sync_copy(zv, agg_sh.at[pl.ds(s * 625 + k * 64, 64)])
        return carry

    lax.fori_loop(0, 9, zcopy, 0)
    pltpu.sync_copy(zv.at[pl.ds(0, 49)], agg_sh.at[pl.ds(s * 625 + 576, 49)])

    pltpu.sync_copy(src_hbm.at[w], src_v)
    pltpu.sync_copy(dst_hbm.at[w], dst_v)
    plsc.subcore_barrier()

    pltpu.async_copy(g_hbm.at[src_v.at[0]], rows0, gs0)
    pltpu.async_copy(g_hbm.at[src_v.at[1]], rows1, gs1)

    def body(i, carry):
        j0 = 2 * i
        j1 = j0 + 1
        pltpu.make_async_copy(g_hbm.at[src_v.at[j0]], rows0, gs0).wait()
        pltpu.async_copy(rows0, agg_sh.at[dst_v.at[j0]], ss0, add=True)

        @pl.when(j1 < NCH)
        def _():
            pltpu.make_async_copy(g_hbm.at[src_v.at[j1]], rows1, gs1).wait()
            pltpu.async_copy(rows1, agg_sh.at[dst_v.at[j1]], ss1, add=True)

        pltpu.make_async_copy(rows0, agg_sh.at[dst_v.at[j0]], ss0).wait()

        @pl.when(j0 + 2 < NCH)
        def _():
            pltpu.async_copy(g_hbm.at[src_v.at[j0 + 2]], rows0, gs0)

        @pl.when(j1 < NCH)
        def _():
            pltpu.make_async_copy(rows1, agg_sh.at[dst_v.at[j1]], ss1).wait()

            @pl.when(j1 + 2 < NCH)
            def _():
                pltpu.async_copy(g_hbm.at[src_v.at[j1 + 2]], rows1, gs1)

        return carry

    lax.fori_loop(0, (NCH + 1) // 2, body, 0)
    plsc.subcore_barrier()
    off = c * N + s * 625
    pltpu.sync_copy(agg_sh.at[pl.ds(s * 625, 625)], out_hbm.at[pl.ds(off, 625)])


def _norm_tc_body(feat_ref, deg_ref, g_ref):
    d = deg_ref[:N, 0:1] + deg_ref[:N, 1:2]
    norm = lax.rsqrt(jnp.maximum(d, 1.0))
    g_ref[...] = feat_ref[...] * norm


def _norm_tc(feat, deg_t):
    return pl.pallas_call(
        _norm_tc_body,
        out_shape=jax.ShapeDtypeStruct((N, D), jnp.float32),
    )(feat, deg_t)


def _tail_tc_body(aggp_ref, deg_ref, w_ref, b_ref, gamma_ref, beta_ref,
                  a1_ref, a2_ref, out_ref):
    agg = aggp_ref[:N, :] + aggp_ref[N:2 * N, :]
    d = deg_ref[:N, 0:1] + deg_ref[:N, 1:2]
    norm = lax.rsqrt(jnp.maximum(d, 1.0))
    h = agg * norm
    h = lax.dot_general(h, w_ref[...], (((1,), (0,)), ((), ())),
                        preferred_element_type=jnp.float32,
                        precision=lax.Precision.HIGHEST)
    h = h + b_ref[...]
    h = jnp.where(h >= 0, h, a1_ref[...] * h)
    mean = jnp.mean(h, axis=0, keepdims=True)
    var = jnp.mean((h - mean) ** 2, axis=0, keepdims=True)
    h = (h - mean) * lax.rsqrt(var + 1e-5) * gamma_ref[...] + beta_ref[...]
    out_ref[...] = jnp.where(h >= 0, h, a2_ref[...] * h)


def _tail_tc(aggp, deg_in_t, W, b, gamma, beta, a1, a2):
    return pl.pallas_call(
        _tail_tc_body,
        out_shape=jax.ShapeDtypeStruct((N, D), jnp.float32),
    )(aggp, deg_in_t, W, b.reshape(1, D), gamma.reshape(1, D),
      beta.reshape(1, D), a1.reshape(1, 1), a2.reshape(1, 1))


def kernel(feat, edge_index, W, b, a1, gamma, beta, a2):
    src = edge_index[0].astype(jnp.int32)
    dst = edge_index[1].astype(jnp.int32)
    src_h = src.reshape(NW, NCHH, CHH)
    dst_h = dst.reshape(NW, NCHH, CHH)
    src_a = src.reshape(NW, NCH, CH)
    dst_a = dst.reshape(NW, NCH, CH)
    zeros_h = jnp.zeros((NPAD,), jnp.float32)

    hs, hd = _hist_sc(src_h, dst_h, zeros_h)
    deg_out_t = hs.reshape(NC, NPAD).T
    deg_in_t = hd.reshape(NC, NPAD).T

    g = _norm_tc(feat, deg_out_t)
    aggp = _agg_sc(g, src_a, dst_a)
    return _tail_tc(aggp, deg_in_t, W, b, gamma, beta,
                    jnp.asarray(a1, jnp.float32), jnp.asarray(a2, jnp.float32))

# --- scband reference (transcript-rebuilt; emitter-appended) ---
"""Pipeline reference for scband-encoder-25031069401686 (READ-ONLY COPY).

The authoritative reference and input builder live on the scoring server;
editing this copy changes nothing except your own understanding.
"""

import jax, jax.numpy as jnp
import numpy as np

N = 10000
E = 320000
D_IN = 128
D_OUT = 128


def setup_inputs(seed: int = 0) -> dict:
    key = jax.random.key(seed)
    k1, k2, k3 = jax.random.split(key, 3)
    feat = jax.random.normal(k1, (N, D_IN), dtype=jnp.float32)
    edge_index = jax.random.randint(k2, (2, E), 0, N, dtype=jnp.int32).astype(jnp.int64)
    W = jax.random.normal(k3, (D_IN, D_OUT), dtype=jnp.float32) * (1.0 / np.sqrt(D_IN))
    b = jnp.zeros((D_OUT,), dtype=jnp.float32)
    a1 = jnp.asarray(0.25, dtype=jnp.float32)
    gamma = jnp.ones((D_OUT,), dtype=jnp.float32)
    beta = jnp.zeros((D_OUT,), dtype=jnp.float32)
    a2 = jnp.asarray(0.25, dtype=jnp.float32)
    return {"feat": feat, "edge_index": edge_index, "W": W, "b": b,
            "a1": a1, "gamma": gamma, "beta": beta, "a2": a2}


def reference(feat, edge_index, W, b, a1, gamma, beta, a2):
    # Dropout is identity in eval mode.
    src = edge_index[0]
    dst = edge_index[1]
    n = feat.shape[0]
    ones = jnp.ones((src.shape[0],), dtype=feat.dtype)
    # DGL GraphConv norm='both': normalize src by out-degree^-1/2, dst by in-degree^-1/2
    deg_out = jnp.zeros((n,), feat.dtype).at[src].add(ones)
    deg_in = jnp.zeros((n,), feat.dtype).at[dst].add(ones)
    norm_src = jnp.power(jnp.clip(deg_out, 1.0), -0.5)
    norm_dst = jnp.power(jnp.clip(deg_in, 1.0), -0.5)
    h = feat * norm_src[:, None]
    # message passing: gather from src, scatter-add to dst
    msg = jnp.take(h, src, axis=0)
    agg = jnp.zeros((n, h.shape[1]), h.dtype).at[dst].add(msg)
    h = agg * norm_dst[:, None]
    # in_feats == out_feats -> aggregate first then weight (DGL convention)
    h = h @ W + b
    # PReLU activation inside GraphConv
    h = jnp.where(h >= 0, h, a1 * h)
    # BatchNorm1d (training-mode batch statistics, deterministic)
    mean = jnp.mean(h, axis=0)
    var = jnp.var(h, axis=0)
    h = (h - mean) / jnp.sqrt(var + 1e-5) * gamma + beta
    # outer PReLU
    h = jnp.where(h >= 0, h, a2 * h)
    return h

if __name__ == "__main__":
    import jax
    _d = setup_inputs()
    print(jax.jit(kernel)(*tuple(_d.values())))

</pallas_src>

<mosaic_0001>
#map = affine_map<(d0, d1) -> (0, 0, 0)>
#map1 = affine_map<(d0, d1) -> (0)>
module attributes {stable_mosaic.version = 14 : i64} {
  func.func @_hist_sc(%arg0: i32, %arg1: i32, %arg2: memref<32x125x80xi32, #tpu.memory_space<hbm>>, %arg3: memref<32x125x80xi32, #tpu.memory_space<hbm>>, %arg4: memref<10240xf32, #tpu.memory_space<hbm>>, %arg5: memref<20480xf32, #tpu.memory_space<hbm>>, %arg6: memref<20480xf32, #tpu.memory_space<hbm>>, %arg7: memref<125x80xi32, #tpu.memory_space<vmem>>, %arg8: memref<125x80xi32, #tpu.memory_space<vmem>>, %arg9: memref<80xf32, #tpu.memory_space<vmem>>, %arg10: memref<10240xf32, #tpu.memory_space<vmem_shared>>, %arg11: memref<10240xf32, #tpu.memory_space<vmem_shared>>, %arg12: memref<!tpu.dma_semaphore, #tpu.memory_space<semaphore_mem>>, %arg13: memref<!tpu.dma_semaphore, #tpu.memory_space<semaphore_mem>>) attributes {dimension_semantics = [#tpu.dimension_semantics<core_parallel>, #tpu.dimension_semantics<subcore_parallel>], iteration_bounds = array<i64: 2, 16>, scalar_prefetch = 0 : i64, scratch_operands = 7 : i64, tpu.core_type = #tpu.core_type<sc_vector_subcore>, window_params = [{transform_indices = #map}, {transform_indices = #map}, {transform_indices = #map1}, {transform_indices = #map1}, {transform_indices = #map1}]} {
    %mul3A = arith.constant 2 : i32
    %mul3A_0 = arith.muli %arg1, %mul3A : i32
    %add3A = arith.addi %mul3A_0, %arg0 : i32
    %eq3A = arith.constant 0 : i32
    %eq3A_1 = arith.cmpi eq, %arg1, %eq3A : i32
    %convert_element_type3A = arith.extui %eq3A_1 : i1 to i32
    %cond3A = arith.constant 0 : i32
    %cond3A_2 = arith.cmpi ne, %convert_element_type3A, %cond3A : i32
    scf.if %cond3A_2 {
      "tpu.region"() ({
        %run_scoped3A = tpu.sem_alloc : memref<!tpu.dma_semaphore, #tpu.memory_space<semaphore_mem>>
        tpu.enqueue_dma source(%arg4 : memref<10240xf32, #tpu.memory_space<hbm>>) target(%arg10 : memref<10240xf32, #tpu.memory_space<vmem_shared>>) target_semaphore(%run_scoped3A : memref<!tpu.dma_semaphore, #tpu.memory_space<semaphore_mem>>)
        tpu.wait_dma2 semaphore(%run_scoped3A : memref<!tpu.dma_semaphore, #tpu.memory_space<semaphore_mem>>) src(%arg4 : memref<10240xf32, #tpu.memory_space<hbm>>) dst(%arg10 : memref<10240xf32, #tpu.memory_space<vmem_shared>>)
        tpu.yield
      }) : () -> ()
      "tpu.region"() ({
        %run_scoped3A = tpu.sem_alloc : memref<!tpu.dma_semaphore, #tpu.memory_space<semaphore_mem>>
        tpu.enqueue_dma source(%arg4 : memref<10240xf32, #tpu.memory_space<hbm>>) target(%arg11 : memref<10240xf32, #tpu.memory_space<vmem_shared>>) target_semaphore(%run_scoped3A : memref<!tpu.dma_semaphore, #tpu.memory_space<semaphore_mem>>)
        tpu.wait_dma2 semaphore(%run_scoped3A : memref<!tpu.dma_semaphore, #tpu.memory_space<semaphore_mem>>) src(%arg4 : memref<10240xf32, #tpu.memory_space<hbm>>) dst(%arg11 : memref<10240xf32, #tpu.memory_space<vmem_shared>>)
        tpu.yield
      }) : () -> ()
    } else {
    }
    %broadcast_in_dim3A = arith.constant 1.000000e+00 : f32
    %broadcast_in_dim3A_3 = vector.broadcast %broadcast_in_dim3A : f32 to vector<16xf32>
    %swap3A = arith.constant 0 : index
    %swap3A_4 = tpu.vector_load %arg9[%swap3A] {strides = array<i32>} : memref<80xf32, #tpu.memory_space<vmem>>, vector<16xf32>,
    %swap3A_5 = vector.shape_cast %swap3A_4 : vector<16xf32> to vector<16xf32>
    %swap3A_6 = vector.shape_cast %broadcast_in_dim3A_3 : vector<16xf32> to vector<16xf32>
    tpu.vector_store %arg9[%swap3A], %swap3A_6 {strides = array<i32>} : memref<80xf32, #tpu.memory_space<vmem>>, vector<16xf32>,
    %broadcast_in_dim3A_7 = arith.constant 1.000000e+00 : f32
    %broadcast_in_dim3A_8 = vector.broadcast %broadcast_in_dim3A_7 : f32 to vector<16xf32>
    %swap3A_9 = arith.constant 16 : index
    %swap3A_10 = tpu.vector_load %arg9[%swap3A_9] {strides = array<i32>} : memref<80xf32, #tpu.memory_space<vmem>>, vector<16xf32>,
    %swap3A_11 = vector.shape_cast %swap3A_10 : vector<16xf32> to vector<16xf32>
    %swap3A_12 = vector.shape_cast %broadcast_in_dim3A_8 : vector<16xf32> to vector<16xf32>
    tpu.vector_store %arg9[%swap3A_9], %swap3A_12 {strides = array<i32>} : memref<80xf32, #tpu.memory_space<vmem>>, vector<16xf32>,
    %broadcast_in_dim3A_13 = arith.constant 1.000000e+00 : f32
    %broadcast_in_dim3A_14 = vector.broadcast %broadcast_in_dim3A_13 : f32 to vector<16xf32>
    %swap3A_15 = arith.constant 32 : index
    %swap3A_16 = tpu.vector_load %arg9[%swap3A_15] {strides = array<i32>} : memref<80xf32, #tpu.memory_space<vmem>>, vector<16xf32>,
    %swap3A_17 = vector.shape_cast %swap3A_16 : vector<16xf32> to vector<16xf32>
    %swap3A_18 = vector.shape_cast %broadcast_in_dim3A_14 : vector<16xf32> to vector<16xf32>
    tpu.vector_store %arg9[%swap3A_15], %swap3A_18 {strides = array<i32>} : memref<80xf32, #tpu.memory_space<vmem>>, vector<16xf32>,
    %broadcast_in_dim3A_19 = arith.constant 1.000000e+00 : f32
    %broadcast_in_dim3A_20 = vector.broadcast %broadcast_in_dim3A_19 : f32 to vector<16xf32>
    %swap3A_21 = arith.constant 48 : index
    %swap3A_22 = tpu.vector_load %arg9[%swap3A_21] {strides = array<i32>} : memref<80xf32, #tpu.memory_space<vmem>>, vector<16xf32>,
    %swap3A_23 = vector.shape_cast %swap3A_22 : vector<16xf32> to vector<16xf32>
    %swap3A_24 = vector.shape_cast %broadcast_in_dim3A_20 : vector<16xf32> to vector<16xf32>
    tpu.vector_store %arg9[%swap3A_21], %swap3A_24 {strides = array<i32>} : memref<80xf32, #tpu.memory_space<vmem>>, vector<16xf32>,
    %broadcast_in_dim3A_25 = arith.constant 1.000000e+00 : f32
    %broadcast_in_dim3A_26 = vector.broadcast %broadcast_in_dim3A_25 : f32 to vector<16xf32>
    %swap3A_27 = arith.constant 64 : index
    %swap3A_28 = tpu.vector_load %arg9[%swap3A_27] {strides = array<i32>} : memref<80xf32, #tpu.memory_space<vmem>>, vector<16xf32>,
    %swap3A_29 = vector.shape_cast %swap3A_28 : vector<16xf32> to vector<16xf32>
    %swap3A_30 = vector.shape_cast %broadcast_in_dim3A_26 : vector<16xf32> to vector<16xf32>
    tpu.vector_store %arg9[%swap3A_27], %swap3A_30 {strides = array<i32>} : memref<80xf32, #tpu.memory_space<vmem>>, vector<16xf32>,
    "tpu.region"() ({
      %run_scoped3A = tpu.sem_alloc : memref<!tpu.dma_semaphore, #tpu.memory_space<semaphore_mem>>
      %dma_start3A = arith.constant 0 : i32
      %dma_start3A_52 = arith.constant 0 : i32
      %dma_start3A_53 = tpu.memref_slice %arg2[%add3A, %dma_start3A, %dma_start3A_52] : memref<32x125x80xi32, #tpu.memory_space<hbm>> -> memref<1x125x80xi32, #tpu.memory_space<hbm>>
      %dma_start3A_54 = tpu.memref_squeeze %dma_start3A_53 : memref<1x125x80xi32, #tpu.memory_space<hbm>> -> memref<125x80xi32, #tpu.memory_space<hbm>>
      %dma_start3A_55 = arith.constant 0 : i32
      %dma_start3A_56 = arith.constant 0 : i32
      %dma_start3A_57 = tpu.memref_slice %arg2[%add3A, %dma_start3A_55, %dma_start3A_56] : memref<32x125x80xi32, #tpu.memory_space<hbm>> -> memref<1x125x80xi32, #tpu.memory_space<hbm>>
      %dma_start3A_58 = tpu.memref_squeeze %dma_start3A_57 : memref<1x125x80xi32, #tpu.memory_space<hbm>> -> memref<125x80xi32, #tpu.memory_space<hbm>>
      tpu.enqueue_dma source(%dma_start3A_58 : memref<125x80xi32, #tpu.memory_space<hbm>>) target(%arg7 : memref<125x80xi32, #tpu.memory_space<vmem>>) target_semaphore(%run_scoped3A : memref<!tpu.dma_semaphore, #tpu.memory_space<semaphore_mem>>)
      %dma_wait3A = arith.constant 0 : i32
      %dma_wait3A_59 = arith.constant 0 : i32
      %dma_wait3A_60 = tpu.memref_slice %arg2[%add3A, %dma_wait3A, %dma_wait3A_59] : memref<32x125x80xi32, #tpu.memory_space<hbm>> -> memref<1x125x80xi32, #tpu.memory_space<hbm>>
      %dma_wait3A_61 = tpu.memref_squeeze %dma_wait3A_60 : memref<1x125x80xi32, #tpu.memory_space<hbm>> -> memref<125x80xi32, #tpu.memory_space<hbm>>
      %dma_wait3A_62 = arith.constant 0 : i32
      %dma_wait3A_63 = arith.constant 0 : i32
      %dma_wait3A_64 = tpu.memref_slice %arg2[%add3A, %dma_wait3A_62, %dma_wait3A_63] : memref<32x125x80xi32, #tpu.memory_space<hbm>> -> memref<1x125x80xi32, #tpu.memory_space<hbm>>
      %dma_wait3A_65 = tpu.memref_squeeze %dma_wait3A_64 : memref<1x125x80xi32, #tpu.memory_space<hbm>> -> memref<125x80xi32, #tpu.memory_space<hbm>>
      tpu.wait_dma2 semaphore(%run_scoped3A : memref<!tpu.dma_semaphore, #tpu.memory_space<semaphore_mem>>) src(%dma_wait3A_65 : memref<125x80xi32, #tpu.memory_space<hbm>>) dst(%arg7 : memref<125x80xi32, #tpu.memory_space<vmem>>)
      tpu.yield
    }) : () -> ()
    "tpu.region"() ({
      %run_scoped3A = tpu.sem_alloc : memref<!tpu.dma_semaphore, #tpu.memory_space<semaphore_mem>>
      %dma_start3A = arith.constant 0 : i32
      %dma_start3A_52 = arith.constant 0 : i32
      %dma_start3A_53 = tpu.memref_slice %arg3[%add3A, %dma_start3A, %dma_start3A_52] : memref<32x125x80xi32, #tpu.memory_space<hbm>> -> memref<1x125x80xi32, #tpu.memory_space<hbm>>
      %dma_start3A_54 = tpu.memref_squeeze %dma_start3A_53 : memref<1x125x80xi32, #tpu.memory_space<hbm>> -> memref<125x80xi32, #tpu.memory_space<hbm>>
      %dma_start3A_55 = arith.constant 0 : i32
      %dma_start3A_56 = arith.constant 0 : i32
      %dma_start3A_57 = tpu.memref_slice %arg3[%add3A, %dma_start3A_55, %dma_start3A_56] : memref<32x125x80xi32, #tpu.memory_space<hbm>> -> memref<1x125x80xi32, #tpu.memory_space<hbm>>
      %dma_start3A_58 = tpu.memref_squeeze %dma_start3A_57 : memref<1x125x80xi32, #tpu.memory_space<hbm>> -> memref<125x80xi32, #tpu.memory_space<hbm>>
      tpu.enqueue_dma source(%dma_start3A_58 : memref<125x80xi32, #tpu.memory_space<hbm>>) target(%arg8 : memref<125x80xi32, #tpu.memory_space<vmem>>) target_semaphore(%run_scoped3A : memref<!tpu.dma_semaphore, #tpu.memory_space<semaphore_mem>>)
      %dma_wait3A = arith.constant 0 : i32
      %dma_wait3A_59 = arith.constant 0 : i32
      %dma_wait3A_60 = tpu.memref_slice %arg3[%add3A, %dma_wait3A, %dma_wait3A_59] : memref<32x125x80xi32, #tpu.memory_space<hbm>> -> memref<1x125x80xi32, #tpu.memory_space<hbm>>
      %dma_wait3A_61 = tpu.memref_squeeze %dma_wait3A_60 : memref<1x125x80xi32, #tpu.memory_space<hbm>> -> memref<125x80xi32, #tpu.memory_space<hbm>>
      %dma_wait3A_62 = arith.constant 0 : i32
      %dma_wait3A_63 = arith.constant 0 : i32
      %dma_wait3A_64 = tpu.memref_slice %arg3[%add3A, %dma_wait3A_62, %dma_wait3A_63] : memref<32x125x80xi32, #tpu.memory_space<hbm>> -> memref<1x125x80xi32, #tpu.memory_space<hbm>>
      %dma_wait3A_65 = tpu.memref_squeeze %dma_wait3A_64 : memref<1x125x80xi32, #tpu.memory_space<hbm>> -> memref<125x80xi32, #tpu.memory_space<hbm>>
      tpu.wait_dma2 semaphore(%run_scoped3A : memref<!tpu.dma_semaphore, #tpu.memory_space<semaphore_mem>>) src(%dma_wait3A_65 : memref<125x80xi32, #tpu.memory_space<hbm>>) dst(%arg8 : memref<125x80xi32, #tpu.memory_space<vmem>>)
      tpu.yield
    }) : () -> ()
    %barrier3A = arith.constant 0 : index
    tpu.barrier barrier_id(%barrier3A)
    %scan3A = arith.constant 0 : i32
    %scan3A_31 = arith.constant 0 : i32
    %scan3A_32 = arith.constant 125 : i32
    %scan3A_33 = arith.addi %scan3A_31, %scan3A_32 : i32
    %scan3A_34 = arith.constant 1 : i32
    scf.for %scan3A_52 = %scan3A_31 to %scan3A_33 step %scan3A_34  : i32 {
      %dma_start3A = arith.constant 0 : i32
      %dma_start3A_53 = tpu.memref_slice %arg7[%scan3A_52, %dma_start3A] : memref<125x80xi32, #tpu.memory_space<vmem>> -> memref<1x80xi32, #tpu.memory_space<vmem>>
      %dma_start3A_54 = tpu.memref_squeeze %dma_start3A_53 : memref<1x80xi32, #tpu.memory_space<vmem>> -> memref<80xi32, #tpu.memory_space<vmem>>
      %dma_start3A_55 = arith.constant 0 : i32
      %dma_start3A_56 = tpu.memref_slice %arg10[%dma_start3A_55] : memref<10240xf32, #tpu.memory_space<vmem_shared>> -> memref<10240xf32, #tpu.memory_space<vmem_shared>>
      tpu.enqueue_indirect_dma source(%arg9 : memref<80xf32, #tpu.memory_space<vmem>>) target(%dma_start3A_56 : memref<10240xf32, #tpu.memory_space<vmem_shared>>) offsets(%dma_start3A_54 : memref<80xi32, #tpu.memory_space<vmem>>) semaphore(%arg12 : memref<!tpu.dma_semaphore, #tpu.memory_space<semaphore_mem>>) {add = true}
      %dma_start3A_57 = arith.constant 0 : i32
      %dma_start3A_58 = tpu.memref_slice %arg8[%scan3A_52, %dma_start3A_57] : memref<125x80xi32, #tpu.memory_space<vmem>> -> memref<1x80xi32, #tpu.memory_space<vmem>>
      %dma_start3A_59 = tpu.memref_squeeze %dma_start3A_58 : memref<1x80xi32, #tpu.memory_space<vmem>> -> memref<80xi32, #tpu.memory_space<vmem>>
      %dma_start3A_60 = arith.constant 0 : i32
      %dma_start3A_61 = tpu.memref_slice %arg11[%dma_start3A_60] : memref<10240xf32, #tpu.memory_space<vmem_shared>> -> memref<10240xf32, #tpu.memory_space<vmem_shared>>
      tpu.enqueue_indirect_dma source(%arg9 : memref<80xf32, #tpu.memory_space<vmem>>) target(%dma_start3A_61 : memref<10240xf32, #tpu.memory_space<vmem_shared>>) offsets(%dma_start3A_59 : memref<80xi32, #tpu.memory_space<vmem>>) semaphore(%arg13 : memref<!tpu.dma_semaphore, #tpu.memory_space<semaphore_mem>>) {add = true}
    }
    %scan3A_35 = arith.constant 125 : i32
    %scan3A_36 = arith.constant 0 : i32
    %scan3A_37 = arith.constant 0 : i32
    %scan3A_38 = arith.constant 125 : i32
    %scan3A_39 = arith.addi %scan3A_37, %scan3A_38 : i32
    %scan3A_40 = arith.constant 1 : i32
    scf.for %scan3A_52 = %scan3A_37 to %scan3A_39 step %scan3A_40  : i32 {
      %dma_wait3A = arith.constant 0 : i32
      %dma_wait3A_53 = arith.constant 0 : i32
      %dma_wait3A_54 = tpu.memref_slice %arg7[%dma_wait3A, %dma_wait3A_53] : memref<125x80xi32, #tpu.memory_space<vmem>> -> memref<1x80xi32, #tpu.memory_space<vmem>>
      %dma_wait3A_55 = tpu.memref_squeeze %dma_wait3A_54 : memref<1x80xi32, #tpu.memory_space<vmem>> -> memref<80xi32, #tpu.memory_space<vmem>>
      %dma_wait3A_56 = arith.constant 0 : i32
      %dma_wait3A_57 = tpu.memref_slice %arg10[%dma_wait3A_56] : memref<10240xf32, #tpu.memory_space<vmem_shared>> -> memref<10240xf32, #tpu.memory_space<vmem_shared>>
      tpu.wait_indirect_dma semaphore(%arg12 : memref<!tpu.dma_semaphore, #tpu.memory_space<semaphore_mem>>) src(%arg9 : memref<80xf32, #tpu.memory_space<vmem>>) dst(%dma_wait3A_57 : memref<10240xf32, #tpu.memory_space<vmem_shared>>)
      %dma_wait3A_58 = arith.constant 0 : i32
      %dma_wait3A_59 = arith.constant 0 : i32
      %dma_wait3A_60 = tpu.memref_slice %arg8[%dma_wait3A_58, %dma_wait3A_59] : memref<125x80xi32, #tpu.memory_space<vmem>> -> memref<1x80xi32, #tpu.memory_space<vmem>>
      %dma_wait3A_61 = tpu.memref_squeeze %dma_wait3A_60 : memref<1x80xi32, #tpu.memory_space<vmem>> -> memref<80xi32, #tpu.memory_space<vmem>>
      %dma_wait3A_62 = arith.constant 0 : i32
      %dma_wait3A_63 = tpu.memref_slice %arg11[%dma_wait3A_62] : memref<10240xf32, #tpu.memory_space<vmem_shared>> -> memref<10240xf32, #tpu.memory_space<vmem_shared>>
      tpu.wait_indirect_dma semaphore(%arg13 : memref<!tpu.dma_semaphore, #tpu.memory_space<semaphore_mem>>) src(%arg9 : memref<80xf32, #tpu.memory_space<vmem>>) dst(%dma_wait3A_63 : memref<10240xf32, #tpu.memory_space<vmem_shared>>)
    }
    %scan3A_41 = arith.constant 125 : i32
    %barrier3A_42 = arith.constant 0 : index
    tpu.barrier barrier_id(%barrier3A_42)
    %mul3A_43 = arith.constant 10240 : i32
    %mul3A_44 = arith.muli %arg0, %mul3A_43 : i32
    %mul3A_45 = arith.constant 640 : i32
    %mul3A_46 = arith.muli %arg1, %mul3A_45 : i32
    %add3A_47 = arith.addi %mul3A_44, %mul3A_46 : i32
    %mul3A_48 = arith.constant 640 : i32
    %mul3A_49 = arith.muli %arg1, %mul3A_48 : i32
    "tpu.region"() ({
      %run_scoped3A = tpu.sem_alloc : memref<!tpu.dma_semaphore, #tpu.memory_space<semaphore_mem>>
      %dma_start3A = tpu.memref_slice %arg5[%add3A_47] : memref<20480xf32, #tpu.memory_space<hbm>> -> memref<640xf32, #tpu.memory_space<hbm>>
      %dma_start3A_52 = tpu.memref_slice %arg10[%mul3A_49] : memref<10240xf32, #tpu.memory_space<vmem_shared>> -> memref<640xf32, #tpu.memory_space<vmem_shared>>
      tpu.enqueue_dma source(%dma_start3A_52 : memref<640xf32, #tpu.memory_space<vmem_shared>>) target(%dma_start3A : memref<640xf32, #tpu.memory_space<hbm>>) target_semaphore(%run_scoped3A : memref<!tpu.dma_semaphore, #tpu.memory_space<semaphore_mem>>)
      %dma_wait3A = tpu.memref_slice %arg5[%add3A_47] : memref<20480xf32, #tpu.memory_space<hbm>> -> memref<640xf32, #tpu.memory_space<hbm>>
      %dma_wait3A_53 = tpu.memref_slice %arg10[%mul3A_49] : memref<10240xf32, #tpu.memory_space<vmem_shared>> -> memref<640xf32, #tpu.memory_space<vmem_shared>>
      tpu.wait_dma2 semaphore(%run_scoped3A : memref<!tpu.dma_semaphore, #tpu.memory_space<semaphore_mem>>) src(%dma_wait3A_53 : memref<640xf32, #tpu.memory_space<vmem_shared>>) dst(%dma_wait3A : memref<640xf32, #tpu.memory_space<hbm>>)
      tpu.yield
    }) : () -> ()
    %mul3A_50 = arith.constant 640 : i32
    %mul3A_51 = arith.muli %arg1, %mul3A_50 : i32
    "tpu.region"() ({
      %run_scoped3A = tpu.sem_alloc : memref<!tpu.dma_semaphore, #tpu.memory_space<semaphore_mem>>
      %dma_start3A = tpu.memref_slice %arg6[%add3A_47] : memref<20480xf32, #tpu.memory_space<hbm>> -> memref<640xf32, #tpu.memory_space<hbm>>
      %dma_start3A_52 = tpu.memref_slice %arg11[%mul3A_51] : memref<10240xf32, #tpu.memory_space<vmem_shared>> -> memref<640xf32, #tpu.memory_space<vmem_shared>>
      tpu.enqueue_dma source(%dma_start3A_52 : memref<640xf32, #tpu.memory_space<vmem_shared>>) target(%dma_start3A : memref<640xf32, #tpu.memory_space<hbm>>) target_semaphore(%run_scoped3A : memref<!tpu.dma_semaphore, #tpu.memory_space<semaphore_mem>>)
      %dma_wait3A = tpu.memref_slice %arg6[%add3A_47] : memref<20480xf32, #tpu.memory_space<hbm>> -> memref<640xf32, #tpu.memory_space<hbm>>
      %dma_wait3A_53 = tpu.memref_slice %arg11[%mul3A_51] : memref<10240xf32, #tpu.memory_space<vmem_shared>> -> memref<640xf32, #tpu.memory_space<vmem_shared>>
      tpu.wait_dma2 semaphore(%run_scoped3A : memref<!tpu.dma_semaphore, #tpu.memory_space<semaphore_mem>>) src(%dma_wait3A_53 : memref<640xf32, #tpu.memory_space<vmem_shared>>) dst(%dma_wait3A : memref<640xf32, #tpu.memory_space<hbm>>)
      tpu.yield
    }) : () -> ()
    return
  }
}

#map = affine_map<(d0, d1) -> (0, 0)>
#map1 = affine_map<(d0, d1) -> (0, 0, 0)>
module attributes {stable_mosaic.version = 14 : i64} {
  func.func @_agg_sc(%arg0: i32, %arg1: i32, %arg2: memref<10000x128xf32, #tpu.memory_space<hbm>>, %arg3: memref<32x125x80xi32, #tpu.memory_space<hbm>>, %arg4: memref<32x125x80xi32, #tpu.memory_space<hbm>>, %arg5: memref<20000x128xf32, #tpu.memory_space<hbm>>, %arg6: memref<125x80xi32, #tpu.memory_space<vmem>>, %arg7: memref<125x80xi32, #tpu.memory_space<vmem>>, %arg8: memref<80x128xf32, #tpu.memory_space<vmem>>, %arg9: memref<80x128xf32, #tpu.memory_space<vmem>>, %arg10: memref<64x128xf32, #tpu.memory_space<vmem>>, %arg11: memref<10000x128xf32, #tpu.memory_space<vmem_shared>>, %arg12: memref<!tpu.dma_semaphore, #tpu.memory_space<semaphore_mem>>, %arg13: memref<!tpu.dma_semaphore, #tpu.memory_space<semaphore_mem>>, %arg14: memref<!tpu.dma_semaphore, #tpu.memory_space<semaphore_mem>>, %arg15: memref<!tpu.dma_semaphore, #tpu.memory_space<semaphore_mem>>) attributes {dimension_semantics = [#tpu.dimension_semantics<core_parallel>, #tpu.dimension_semantics<subcore_parallel>], iteration_bounds = array<i64: 2, 16>, scalar_prefetch = 0 : i64, scratch_operands = 10 : i64, tpu.core_type = #tpu.core_type<sc_vector_subcore>, window_params = [{transform_indices = #map}, {transform_indices = #map1}, {transform_indices = #map1}, {transform_indices = #map}]} {
    %mul3A = arith.constant 2 : i32
    %mul3A_0 = arith.muli %arg1, %mul3A : i32
    %add3A = arith.addi %mul3A_0, %arg0 : i32
    %scan3A = arith.constant 0 : i32
    %scan3A_1 = arith.constant 0 : i32
    %scan3A_2 = arith.constant 512 : i32
    %scan3A_3 = arith.addi %scan3A_1, %scan3A_2 : i32
    %scan3A_4 = arith.constant 1 : i32
    scf.for %scan3A_43 = %scan3A_1 to %scan3A_3 step %scan3A_4  : i32 {
      %broadcast_in_dim3A = arith.constant 0.000000e+00 : f32
      %broadcast_in_dim3A_44 = vector.broadcast %broadcast_in_dim3A : f32 to vector<16xf32>
      %jit3A = arith.constant 8 : i32
      %div3A = arith.divsi %scan3A_43, %jit3A : i32
      %sign3A = arith.constant 0 : i32
      %sign3A_45 = arith.cmpi sgt, %scan3A_43, %sign3A : i32
      %sign3A_46 = arith.extui %sign3A_45 : i1 to i32
      %sign3A_47 = arith.constant 0 : i32
      %sign3A_48 = arith.cmpi slt, %scan3A_43, %sign3A_47 : i32
      %sign3A_49 = arith.extui %sign3A_48 : i1 to i32
      %sign3A_50 = arith.subi %sign3A_46, %sign3A_49 : i32
      %sign3A_51 = arith.constant 0 : i32
      %sign3A_52 = arith.cmpi sgt, %jit3A, %sign3A_51 : i32
      %sign3A_53 = arith.extui %sign3A_52 : i1 to i32
      %sign3A_54 = arith.constant 0 : i32
      %sign3A_55 = arith.cmpi slt, %jit3A, %sign3A_54 : i32
      %sign3A_56 = arith.extui %sign3A_55 : i1 to i32
      %sign3A_57 = arith.subi %sign3A_53, %sign3A_56 : i32
      %ne3A = arith.cmpi ne, %sign3A_50, %sign3A_57 : i32
      %rem3A = arith.remsi %scan3A_43, %jit3A : i32
      %ne3A_58 = arith.constant 0 : i32
      %ne3A_59 = arith.cmpi ne, %rem3A, %ne3A_58 : i32
      %and3A = arith.andi %ne3A, %ne3A_59 : i1
      %sub3A = arith.constant 1 : i32
      %sub3A_60 = arith.subi %div3A, %sub3A : i32
      %select_n3A = arith.select %and3A, %sub3A_60, %div3A : i32
      %jit3A_61 = arith.constant 8 : i32
      %eq3A = arith.constant 0 : i32
      %eq3A_62 = arith.cmpi eq, %jit3A_61, %eq3A : i32
      %jit3A_63 = arith.constant 1 : i32
      %select_n3A_64 = arith.select %eq3A_62, %jit3A_63, %jit3A_61 : i32
      %rem3A_65 = arith.remsi %scan3A_43, %select_n3A_64 : i32
      %ne3A_66 = arith.constant 0 : i32
      %ne3A_67 = arith.cmpi ne, %rem3A_65, %ne3A_66 : i32
      %lt3A = arith.constant 0 : i32
      %lt3A_68 = arith.cmpi slt, %rem3A_65, %lt3A : i32
      %lt3A_69 = arith.constant 0 : i32
      %lt3A_70 = arith.cmpi slt, %select_n3A_64, %lt3A_69 : i32
      %ne3A_71 = arith.xori %lt3A_68, %lt3A_70 : i1
      %and3A_72 = arith.andi %ne3A_71, %ne3A_67 : i1
      %add3A_73 = arith.addi %rem3A_65, %select_n3A_64 : i32
      %select_n3A_74 = arith.select %and3A_72, %add3A_73, %rem3A_65 : i32
      %mul3A_75 = arith.constant 16 : i32
      %mul3A_76 = arith.muli %select_n3A_74, %mul3A_75 : i32
      %swap3A = arith.index_cast %select_n3A : i32 to index
      %swap3A_77 = arith.index_cast %mul3A_76 : i32 to index
      %swap3A_78 = tpu.vector_load %arg10[%swap3A, %swap3A_77] {strides = array<i32>} : memref<64x128xf32, #tpu.memory_space<vmem>>, vector<1x16xf32>,
      %swap3A_79 = vector.shape_cast %swap3A_78 : vector<1x16xf32> to vector<16xf32>
      %swap3A_80 = vector.shape_cast %broadcast_in_dim3A_44 : vector<16xf32> to vector<1x16xf32>
      tpu.vector_store %arg10[%swap3A, %swap3A_77], %swap3A_80 {strides = array<i32>} : memref<64x128xf32, #tpu.memory_space<vmem>>, vector<1x16xf32>,
    }
    %scan3A_5 = arith.constant 512 : i32
    %scan3A_6 = arith.constant 0 : i32
    %scan3A_7 = arith.constant 0 : i32
    %scan3A_8 = arith.constant 9 : i32
    %scan3A_9 = arith.addi %scan3A_7, %scan3A_8 : i32
    %scan3A_10 = arith.constant 1 : i32
    scf.for %scan3A_43 = %scan3A_7 to %scan3A_9 step %scan3A_10  : i32 {
      %mul3A_44 = arith.constant 625 : i32
      %mul3A_45 = arith.muli %arg1, %mul3A_44 : i32
      %mul3A_46 = arith.constant 64 : i32
      %mul3A_47 = arith.muli %scan3A_43, %mul3A_46 : i32
      %add3A_48 = arith.addi %mul3A_45, %mul3A_47 : i32
      "tpu.region"() ({
        %run_scoped3A = tpu.sem_alloc : memref<!tpu.dma_semaphore, #tpu.memory_space<semaphore_mem>>
        %dma_start3A_49 = arith.constant 0 : i32
        %dma_start3A_50 = tpu.memref_slice %arg11[%add3A_48, %dma_start3A_49] : memref<10000x128xf32, #tpu.memory_space<vmem_shared>> -> memref<64x128xf32, #tpu.memory_space<vmem_shared>>
        %dma_start3A_51 = arith.constant 0 : i32
        %dma_start3A_52 = tpu.memref_slice %arg11[%add3A_48, %dma_start3A_51] : memref<10000x128xf32, #tpu.memory_space<vmem_shared>> -> memref<64x128xf32, #tpu.memory_space<vmem_shared>>
        tpu.enqueue_dma source(%arg10 : memref<64x128xf32, #tpu.memory_space<vmem>>) target(%dma_start3A_52 : memref<64x128xf32, #tpu.memory_space<vmem_shared>>) target_semaphore(%run_scoped3A : memref<!tpu.dma_semaphore, #tpu.memory_space<semaphore_mem>>)
        %dma_wait3A = arith.constant 0 : i32
        %dma_wait3A_53 = tpu.memref_slice %arg11[%add3A_48, %dma_wait3A] : memref<10000x128xf32, #tpu.memory_space<vmem_shared>> -> memref<64x128xf32, #tpu.memory_space<vmem_shared>>
        %dma_wait3A_54 = arith.constant 0 : i32
        %dma_wait3A_55 = tpu.memref_slice %arg11[%add3A_48, %dma_wait3A_54] : memref<10000x128xf32, #tpu.memory_space<vmem_shared>> -> memref<64x128xf32, #tpu.memory_space<vmem_shared>>
        tpu.wait_dma2 semaphore(%run_scoped3A : memref<!tpu.dma_semaphore, #tpu.memory_space<semaphore_mem>>) src(%arg10 : memref<64x128xf32, #tpu.memory_space<vmem>>) dst(%dma_wait3A_55 : memref<64x128xf32, #tpu.memory_space<vmem_shared>>)
        tpu.yield
      }) : () -> ()
    }
    %scan3A_11 = arith.constant 9 : i32
    %mul3A_12 = arith.constant 625 : i32
    %mul3A_13 = arith.muli %arg1, %mul3A_12 : i32
    %add3A_14 = arith.constant 576 : i32
    %add3A_15 = arith.addi %mul3A_13, %add3A_14 : i32
    "tpu.region"() ({
      %run_scoped3A = tpu.sem_alloc : memref<!tpu.dma_semaphore, #tpu.memory_space<semaphore_mem>>
      %dma_start3A_43 = arith.constant 0 : i32
      %dma_start3A_44 = arith.constant 0 : i32
      %dma_start3A_45 = tpu.memref_slice %arg10[%dma_start3A_43, %dma_start3A_44] : memref<64x128xf32, #tpu.memory_space<vmem>> -> memref<49x128xf32, #tpu.memory_space<vmem>>
      %dma_start3A_46 = arith.constant 0 : i32
      %dma_start3A_47 = tpu.memref_slice %arg11[%add3A_15, %dma_start3A_46] : memref<10000x128xf32, #tpu.memory_space<vmem_shared>> -> memref<49x128xf32, #tpu.memory_space<vmem_shared>>
      %dma_start3A_48 = arith.constant 0 : i32
      %dma_start3A_49 = tpu.memref_slice %arg11[%add3A_15, %dma_start3A_48] : memref<10000x128xf32, #tpu.memory_space<vmem_shared>> -> memref<49x128xf32, #tpu.memory_space<vmem_shared>>
      %dma_start3A_50 = arith.constant 0 : i32
      %dma_start3A_51 = arith.constant 0 : i32
      %dma_start3A_52 = tpu.memref_slice %arg10[%dma_start3A_50, %dma_start3A_51] : memref<64x128xf32, #tpu.memory_space<vmem>> -> memref<49x128xf32, #tpu.memory_space<vmem>>
      tpu.enqueue_dma source(%dma_start3A_52 : memref<49x128xf32, #tpu.memory_space<vmem>>) target(%dma_start3A_49 : memref<49x128xf32, #tpu.memory_space<vmem_shared>>) target_semaphore(%run_scoped3A : memref<!tpu.dma_semaphore, #tpu.memory_space<semaphore_mem>>)
      %dma_wait3A = arith.constant 0 : i32
      %dma_wait3A_53 = arith.constant 0 : i32
      %dma_wait3A_54 = tpu.memref_slice %arg10[%dma_wait3A, %dma_wait3A_53] : memref<64x128xf32, #tpu.memory_space<vmem>> -> memref<49x128xf32, #tpu.memory_space<vmem>>
      %dma_wait3A_55 = arith.constant 0 : i32
      %dma_wait3A_56 = tpu.memref_slice %arg11[%add3A_15, %dma_wait3A_55] : memref<10000x128xf32, #tpu.memory_space<vmem_shared>> -> memref<49x128xf32, #tpu.memory_space<vmem_shared>>
      %dma_wait3A_57 = arith.constant 0 : i32
      %dma_wait3A_58 = tpu.memref_slice %arg11[%add3A_15, %dma_wait3A_57] : memref<10000x128xf32, #tpu.memory_space<vmem_shared>> -> memref<49x128xf32, #tpu.memory_space<vmem_shared>>
      %dma_wait3A_59 = arith.constant 0 : i32
      %dma_wait3A_60 = arith.constant 0 : i32
      %dma_wait3A_61 = tpu.memref_slice %arg10[%dma_wait3A_59, %dma_wait3A_60] : memref<64x128xf32, #tpu.memory_space<vmem>> -> memref<49x128xf32, #tpu.memory_space<vmem>>
      tpu.wait_dma2 semaphore(%run_scoped3A : memref<!tpu.dma_semaphore, #tpu.memory_space<semaphore_mem>>) src(%dma_wait3A_61 : memref<49x128xf32, #tpu.memory_space<vmem>>) dst(%dma_wait3A_58 : memref<49x128xf32, #tpu.memory_space<vmem_shared>>)
      tpu.yield
    }) : () -> ()
    "tpu.region"() ({
      %run_scoped3A = tpu.sem_alloc : memref<!tpu.dma_semaphore, #tpu.memory_space<semaphore_mem>>
      %dma_start3A_43 = arith.constant 0 : i32
      %dma_start3A_44 = arith.constant 0 : i32
      %dma_start3A_45 = tpu.memref_slice %arg3[%add3A, %dma_start3A_43, %dma_start3A_44] : memref<32x125x80xi32, #tpu.memory_space<hbm>> -> memref<1x125x80xi32, #tpu.memory_space<hbm>>
      %dma_start3A_46 = tpu.memref_squeeze %dma_start3A_45 : memref<1x125x80xi32, #tpu.memory_space<hbm>> -> memref<125x80xi32, #tpu.memory_space<hbm>>
      %dma_start3A_47 = arith.constant 0 : i32
      %dma_start3A_48 = arith.constant 0 : i32
      %dma_start3A_49 = tpu.memref_slice %arg3[%add3A, %dma_start3A_47, %dma_start3A_48] : memref<32x125x80xi32, #tpu.memory_space<hbm>> -> memref<1x125x80xi32, #tpu.memory_space<hbm>>
      %dma_start3A_50 = tpu.memref_squeeze %dma_start3A_49 : memref<1x125x80xi32, #tpu.memory_space<hbm>> -> memref<125x80xi32, #tpu.memory_space<hbm>>
      tpu.enqueue_dma source(%dma_start3A_50 : memref<125x80xi32, #tpu.memory_space<hbm>>) target(%arg6 : memref<125x80xi32, #tpu.memory_space<vmem>>) target_semaphore(%run_scoped3A : memref<!tpu.dma_semaphore, #tpu.memory_space<semaphore_mem>>)
      %dma_wait3A = arith.constant 0 : i32
      %dma_wait3A_51 = arith.constant 0 : i32
      %dma_wait3A_52 = tpu.memref_slice %arg3[%add3A, %dma_wait3A, %dma_wait3A_51] : memref<32x125x80xi32, #tpu.memory_space<hbm>> -> memref<1x125x80xi32, #tpu.memory_space<hbm>>
      %dma_wait3A_53 = tpu.memref_squeeze %dma_wait3A_52 : memref<1x125x80xi32, #tpu.memory_space<hbm>> -> memref<125x80xi32, #tpu.memory_space<hbm>>
      %dma_wait3A_54 = arith.constant 0 : i32
      %dma_wait3A_55 = arith.constant 0 : i32
      %dma_wait3A_56 = tpu.memref_slice %arg3[%add3A, %dma_wait3A_54, %dma_wait3A_55] : memref<32x125x80xi32, #tpu.memory_space<hbm>> -> memref<1x125x80xi32, #tpu.memory_space<hbm>>
      %dma_wait3A_57 = tpu.memref_squeeze %dma_wait3A_56 : memref<1x125x80xi32, #tpu.memory_space<hbm>> -> memref<125x80xi32, #tpu.memory_space<hbm>>
      tpu.wait_dma2 semaphore(%run_scoped3A : memref<!tpu.dma_semaphore, #tpu.memory_space<semaphore_mem>>) src(%dma_wait3A_57 : memref<125x80xi32, #tpu.memory_space<hbm>>) dst(%arg6 : memref<125x80xi32, #tpu.memory_space<vmem>>)
      tpu.yield
    }) : () -> ()
    "tpu.region"() ({
      %run_scoped3A = tpu.sem_alloc : memref<!tpu.dma_semaphore, #tpu.memory_space<semaphore_mem>>
      %dma_start3A_43 = arith.constant 0 : i32
      %dma_start3A_44 = arith.constant 0 : i32
      %dma_start3A_45 = tpu.memref_slice %arg4[%add3A, %dma_start3A_43, %dma_start3A_44] : memref<32x125x80xi32, #tpu.memory_space<hbm>> -> memref<1x125x80xi32, #tpu.memory_space<hbm>>
      %dma_start3A_46 = tpu.memref_squeeze %dma_start3A_45 : memref<1x125x80xi32, #tpu.memory_space<hbm>> -> memref<125x80xi32, #tpu.memory_space<hbm>>
      %dma_start3A_47 = arith.constant 0 : i32
      %dma_start3A_48 = arith.constant 0 : i32
      %dma_start3A_49 = tpu.memref_slice %arg4[%add3A, %dma_start3A_47, %dma_start3A_48] : memref<32x125x80xi32, #tpu.memory_space<hbm>> -> memref<1x125x80xi32, #tpu.memory_space<hbm>>
      %dma_start3A_50 = tpu.memref_squeeze %dma_start3A_49 : memref<1x125x80xi32, #tpu.memory_space<hbm>> -> memref<125x80xi32, #tpu.memory_space<hbm>>
      tpu.enqueue_dma source(%dma_start3A_50 : memref<125x80xi32, #tpu.memory_space<hbm>>) target(%arg7 : memref<125x80xi32, #tpu.memory_space<vmem>>) target_semaphore(%run_scoped3A : memref<!tpu.dma_semaphore, #tpu.memory_space<semaphore_mem>>)
      %dma_wait3A = arith.constant 0 : i32
      %dma_wait3A_51 = arith.constant 0 : i32
      %dma_wait3A_52 = tpu.memref_slice %arg4[%add3A, %dma_wait3A, %dma_wait3A_51] : memref<32x125x80xi32, #tpu.memory_space<hbm>> -> memref<1x125x80xi32, #tpu.memory_space<hbm>>
      %dma_wait3A_53 = tpu.memref_squeeze %dma_wait3A_52 : memref<1x125x80xi32, #tpu.memory_space<hbm>> -> memref<125x80xi32, #tpu.memory_space<hbm>>
      %dma_wait3A_54 = arith.constant 0 : i32
      %dma_wait3A_55 = arith.constant 0 : i32
      %dma_wait3A_56 = tpu.memref_slice %arg4[%add3A, %dma_wait3A_54, %dma_wait3A_55] : memref<32x125x80xi32, #tpu.memory_space<hbm>> -> memref<1x125x80xi32, #tpu.memory_space<hbm>>
      %dma_wait3A_57 = tpu.memref_squeeze %dma_wait3A_56 : memref<1x125x80xi32, #tpu.memory_space<hbm>> -> memref<125x80xi32, #tpu.memory_space<hbm>>
      tpu.wait_dma2 semaphore(%run_scoped3A : memref<!tpu.dma_semaphore, #tpu.memory_space<semaphore_mem>>) src(%dma_wait3A_57 : memref<125x80xi32, #tpu.memory_space<hbm>>) dst(%arg7 : memref<125x80xi32, #tpu.memory_space<vmem>>)
      tpu.yield
    }) : () -> ()
    %barrier3A = arith.constant 0 : index
    tpu.barrier barrier_id(%barrier3A)
    %dma_start3A = arith.constant 0 : i32
    %dma_start3A_16 = arith.constant 0 : i32
    %dma_start3A_17 = tpu.memref_slice %arg6[%dma_start3A, %dma_start3A_16] : memref<125x80xi32, #tpu.memory_space<vmem>> -> memref<1x80xi32, #tpu.memory_space<vmem>>
    %dma_start3A_18 = tpu.memref_squeeze %dma_start3A_17 : memref<1x80xi32, #tpu.memory_space<vmem>> -> memref<80xi32, #tpu.memory_space<vmem>>
    %dma_start3A_19 = arith.constant 0 : i32
    %dma_start3A_20 = arith.constant 0 : i32
    %dma_start3A_21 = tpu.memref_slice %arg2[%dma_start3A_19, %dma_start3A_20] : memref<10000x128xf32, #tpu.memory_space<hbm>> -> memref<10000x128xf32, #tpu.memory_space<hbm>>
    tpu.enqueue_indirect_dma source(%dma_start3A_21 : memref<10000x128xf32, #tpu.memory_space<hbm>>) target(%arg8 : memref<80x128xf32, #tpu.memory_space<vmem>>) offsets(%dma_start3A_18 : memref<80xi32, #tpu.memory_space<vmem>>) semaphore(%arg12 : memref<!tpu.dma_semaphore, #tpu.memory_space<semaphore_mem>>)
    %dma_start3A_22 = arith.constant 1 : i32
    %dma_start3A_23 = arith.constant 0 : i32
    %dma_start3A_24 = tpu.memref_slice %arg6[%dma_start3A_22, %dma_start3A_23] : memref<125x80xi32, #tpu.memory_space<vmem>> -> memref<1x80xi32, #tpu.memory_space<vmem>>
    %dma_start3A_25 = tpu.memref_squeeze %dma_start3A_24 : memref<1x80xi32, #tpu.memory_space<vmem>> -> memref<80xi32, #tpu.memory_space<vmem>>
    %dma_start3A_26 = arith.constant 0 : i32
    %dma_start3A_27 = arith.constant 0 : i32
    %dma_start3A_28 = tpu.memref_slice %arg2[%dma_start3A_26, %dma_start3A_27] : memref<10000x128xf32, #tpu.memory_space<hbm>> -> memref<10000x128xf32, #tpu.memory_space<hbm>>
    tpu.enqueue_indirect_dma source(%dma_start3A_28 : memref<10000x128xf32, #tpu.memory_space<hbm>>) target(%arg9 : memref<80x128xf32, #tpu.memory_space<vmem>>) offsets(%dma_start3A_25 : memref<80xi32, #tpu.memory_space<vmem>>) semaphore(%arg13 : memref<!tpu.dma_semaphore, #tpu.memory_space<semaphore_mem>>)
    %scan3A_29 = arith.constant 0 : i32
    %scan3A_30 = arith.constant 0 : i32
    %scan3A_31 = arith.constant 63 : i32
    %scan3A_32 = arith.addi %scan3A_30, %scan3A_31 : i32
    %scan3A_33 = arith.constant 1 : i32
    scf.for %scan3A_43 = %scan3A_30 to %scan3A_32 step %scan3A_33  : i32 {
      %mul3A_44 = arith.constant 2 : i32
      %mul3A_45 = arith.muli %mul3A_44, %scan3A_43 : i32
      %add3A_46 = arith.constant 1 : i32
      %add3A_47 = arith.addi %mul3A_45, %add3A_46 : i32
      %dma_wait3A = arith.constant 0 : i32
      %dma_wait3A_48 = tpu.memref_slice %arg6[%mul3A_45, %dma_wait3A] : memref<125x80xi32, #tpu.memory_space<vmem>> -> memref<1x80xi32, #tpu.memory_space<vmem>>
      %dma_wait3A_49 = tpu.memref_squeeze %dma_wait3A_48 : memref<1x80xi32, #tpu.memory_space<vmem>> -> memref<80xi32, #tpu.memory_space<vmem>>
      %dma_wait3A_50 = arith.constant 0 : i32
      %dma_wait3A_51 = arith.constant 0 : i32
      %dma_wait3A_52 = tpu.memref_slice %arg2[%dma_wait3A_50, %dma_wait3A_51] : memref<10000x128xf32, #tpu.memory_space<hbm>> -> memref<10000x128xf32, #tpu.memory_space<hbm>>
      tpu.wait_indirect_dma semaphore(%arg12 : memref<!tpu.dma_semaphore, #tpu.memory_space<semaphore_mem>>) src(%dma_wait3A_52 : memref<10000x128xf32, #tpu.memory_space<hbm>>) dst(%arg8 : memref<80x128xf32, #tpu.memory_space<vmem>>)
      %dma_start3A_53 = arith.constant 0 : i32
      %dma_start3A_54 = tpu.memref_slice %arg7[%mul3A_45, %dma_start3A_53] : memref<125x80xi32, #tpu.memory_space<vmem>> -> memref<1x80xi32, #tpu.memory_space<vmem>>
      %dma_start3A_55 = tpu.memref_squeeze %dma_start3A_54 : memref<1x80xi32, #tpu.memory_space<vmem>> -> memref<80xi32, #tpu.memory_space<vmem>>
      %dma_start3A_56 = arith.constant 0 : i32
      %dma_start3A_57 = arith.constant 0 : i32
      %dma_start3A_58 = tpu.memref_slice %arg11[%dma_start3A_56, %dma_start3A_57] : memref<10000x128xf32, #tpu.memory_space<vmem_shared>> -> memref<10000x128xf32, #tpu.memory_space<vmem_shared>>
      tpu.enqueue_indirect_dma source(%arg8 : memref<80x128xf32, #tpu.memory_space<vmem>>) target(%dma_start3A_58 : memref<10000x128xf32, #tpu.memory_space<vmem_shared>>) offsets(%dma_start3A_55 : memref<80xi32, #tpu.memory_space<vmem>>) semaphore(%arg14 : memref<!tpu.dma_semaphore, #tpu.memory_space<semaphore_mem>>) {add = true}
      %lt3A = arith.constant 125 : i32
      %lt3A_59 = arith.cmpi slt, %add3A_47, %lt3A : i32
      %convert_element_type3A = arith.extui %lt3A_59 : i1 to i32
      %cond3A = arith.constant 0 : i32
      %cond3A_60 = arith.cmpi ne, %convert_element_type3A, %cond3A : i32
      scf.if %cond3A_60 {
        %dma_wait3A_79 = arith.constant 0 : i32
        %dma_wait3A_80 = tpu.memref_slice %arg6[%add3A_47, %dma_wait3A_79] : memref<125x80xi32, #tpu.memory_space<vmem>> -> memref<1x80xi32, #tpu.memory_space<vmem>>
        %dma_wait3A_81 = tpu.memref_squeeze %dma_wait3A_80 : memref<1x80xi32, #tpu.memory_space<vmem>> -> memref<80xi32, #tpu.memory_space<vmem>>
        %dma_wait3A_82 = arith.constant 0 : i32
        %dma_wait3A_83 = arith.constant 0 : i32
        %dma_wait3A_84 = tpu.memref_slice %arg2[%dma_wait3A_82, %dma_wait3A_83] : memref<10000x128xf32, #tpu.memory_space<hbm>> -> memref<10000x128xf32, #tpu.memory_space<hbm>>
        tpu.wait_indirect_dma semaphore(%arg13 : memref<!tpu.dma_semaphore, #tpu.memory_space<semaphore_mem>>) src(%dma_wait3A_84 : memref<10000x128xf32, #tpu.memory_space<hbm>>) dst(%arg9 : memref<80x128xf32, #tpu.memory_space<vmem>>)
        %dma_start3A_85 = arith.constant 0 : i32
        %dma_start3A_86 = tpu.memref_slice %arg7[%add3A_47, %dma_start3A_85] : memref<125x80xi32, #tpu.memory_space<vmem>> -> memref<1x80xi32, #tpu.memory_space<vmem>>
        %dma_start3A_87 = tpu.memref_squeeze %dma_start3A_86 : memref<1x80xi32, #tpu.memory_space<vmem>> -> memref<80xi32, #tpu.memory_space<vmem>>
        %dma_start3A_88 = arith.constant 0 : i32
        %dma_start3A_89 = arith.constant 0 : i32
        %dma_start3A_90 = tpu.memref_slice %arg11[%dma_start3A_88, %dma_start3A_89] : memref<10000x128xf32, #tpu.memory_space<vmem_shared>> -> memref<10000x128xf32, #tpu.memory_space<vmem_shared>>
        tpu.enqueue_indirect_dma source(%arg9 : memref<80x128xf32, #tpu.memory_space<vmem>>) target(%dma_start3A_90 : memref<10000x128xf32, #tpu.memory_space<vmem_shared>>) offsets(%dma_start3A_87 : memref<80xi32, #tpu.memory_space<vmem>>) semaphore(%arg15 : memref<!tpu.dma_semaphore, #tpu.memory_space<semaphore_mem>>) {add = true}
      } else {
      }
      %dma_wait3A_61 = arith.constant 0 : i32
      %dma_wait3A_62 = tpu.memref_slice %arg7[%mul3A_45, %dma_wait3A_61] : memref<125x80xi32, #tpu.memory_space<vmem>> -> memref<1x80xi32, #tpu.memory_space<vmem>>
      %dma_wait3A_63 = tpu.memref_squeeze %dma_wait3A_62 : memref<1x80xi32, #tpu.memory_space<vmem>> -> memref<80xi32, #tpu.memory_space<vmem>>
      %dma_wait3A_64 = arith.constant 0 : i32
      %dma_wait3A_65 = arith.constant 0 : i32
      %dma_wait3A_66 = tpu.memref_slice %arg11[%dma_wait3A_64, %dma_wait3A_65] : memref<10000x128xf32, #tpu.memory_space<vmem_shared>> -> memref<10000x128xf32, #tpu.memory_space<vmem_shared>>
      tpu.wait_indirect_dma semaphore(%arg14 : memref<!tpu.dma_semaphore, #tpu.memory_space<semaphore_mem>>) src(%arg8 : memref<80x128xf32, #tpu.memory_space<vmem>>) dst(%dma_wait3A_66 : memref<10000x128xf32, #tpu.memory_space<vmem_shared>>)
      %add3A_67 = arith.constant 2 : i32
      %add3A_68 = arith.addi %mul3A_45, %add3A_67 : i32
      %lt3A_69 = arith.constant 125 : i32
      %lt3A_70 = arith.cmpi slt, %add3A_68, %lt3A_69 : i32
      %convert_element_type3A_71 = arith.extui %lt3A_70 : i1 to i32
      %cond3A_72 = arith.constant 0 : i32
      %cond3A_73 = arith.cmpi ne, %convert_element_type3A_71, %cond3A_72 : i32
      scf.if %cond3A_73 {
        %add3A_79 = arith.constant 2 : i32
        %add3A_80 = arith.addi %mul3A_45, %add3A_79 : i32
        %dma_start3A_81 = arith.constant 0 : i32
        %dma_start3A_82 = tpu.memref_slice %arg6[%add3A_80, %dma_start3A_81] : memref<125x80xi32, #tpu.memory_space<vmem>> -> memref<1x80xi32, #tpu.memory_space<vmem>>
        %dma_start3A_83 = tpu.memref_squeeze %dma_start3A_82 : memref<1x80xi32, #tpu.memory_space<vmem>> -> memref<80xi32, #tpu.memory_space<vmem>>
        %dma_start3A_84 = arith.constant 0 : i32
        %dma_start3A_85 = arith.constant 0 : i32
        %dma_start3A_86 = tpu.memref_slice %arg2[%dma_start3A_84, %dma_start3A_85] : memref<10000x128xf32, #tpu.memory_space<hbm>> -> memref<10000x128xf32, #tpu.memory_space<hbm>>
        tpu.enqueue_indirect_dma source(%dma_start3A_86 : memref<10000x128xf32, #tpu.memory_space<hbm>>) target(%arg8 : memref<80x128xf32, #tpu.memory_space<vmem>>) offsets(%dma_start3A_83 : memref<80xi32, #tpu.memory_space<vmem>>) semaphore(%arg12 : memref<!tpu.dma_semaphore, #tpu.memory_space<semaphore_mem>>)
      } else {
      }
      %lt3A_74 = arith.constant 125 : i32
      %lt3A_75 = arith.cmpi slt, %add3A_47, %lt3A_74 : i32
      %convert_element_type3A_76 = arith.extui %lt3A_75 : i1 to i32
      %cond3A_77 = arith.constant 0 : i32
      %cond3A_78 = arith.cmpi ne, %convert_element_type3A_76, %cond3A_77 : i32
      scf.if %cond3A_78 {
        %dma_wait3A_79 = arith.constant 0 : i32
        %dma_wait3A_80 = tpu.memref_slice %arg7[%add3A_47, %dma_wait3A_79] : memref<125x80xi32, #tpu.memory_space<vmem>> -> memref<1x80xi32, #tpu.memory_space<vmem>>
        %dma_wait3A_81 = tpu.memref_squeeze %dma_wait3A_80 : memref<1x80xi32, #tpu.memory_space<vmem>> -> memref<80xi32, #tpu.memory_space<vmem>>
        %dma_wait3A_82 = arith.constant 0 : i32
        %dma_wait3A_83 = arith.constant 0 : i32
        %dma_wait3A_84 = tpu.memref_slice %arg11[%dma_wait3A_82, %dma_wait3A_83] : memref<10000x128xf32, #tpu.memory_space<vmem_shared>> -> memref<10000x128xf32, #tpu.memory_space<vmem_shared>>
        tpu.wait_indirect_dma semaphore(%arg15 : memref<!tpu.dma_semaphore, #tpu.memory_space<semaphore_mem>>) src(%arg9 : memref<80x128xf32, #tpu.memory_space<vmem>>) dst(%dma_wait3A_84 : memref<10000x128xf32, #tpu.memory_space<vmem_shared>>)
        %add3A_85 = arith.constant 2 : i32
        %add3A_86 = arith.addi %add3A_47, %add3A_85 : i32
        %lt3A_87 = arith.constant 125 : i32
        %lt3A_88 = arith.cmpi slt, %add3A_86, %lt3A_87 : i32
        %convert_element_type3A_89 = arith.extui %lt3A_88 : i1 to i32
        %cond3A_90 = arith.constant 0 : i32
        %cond3A_91 = arith.cmpi ne, %convert_element_type3A_89, %cond3A_90 : i32
        scf.if %cond3A_91 {
          %add3A_92 = arith.constant 2 : i32
          %add3A_93 = arith.addi %add3A_47, %add3A_92 : i32
          %dma_start3A_94 = arith.constant 0 : i32
          %dma_start3A_95 = tpu.memref_slice %arg6[%add3A_93, %dma_start3A_94] : memref<125x80xi32, #tpu.memory_space<vmem>> -> memref<1x80xi32, #tpu.memory_space<vmem>>
          %dma_start3A_96 = tpu.memref_squeeze %dma_start3A_95 : memref<1x80xi32, #tpu.memory_space<vmem>> -> memref<80xi32, #tpu.memory_space<vmem>>
          %dma_start3A_97 = arith.constant 0 : i32
          %dma_start3A_98 = arith.constant 0 : i32
          %dma_start3A_99 = tpu.memref_slice %arg2[%dma_start3A_97, %dma_start3A_98] : memref<10000x128xf32, #tpu.memory_space<hbm>> -> memref<10000x128xf32, #tpu.memory_space<hbm>>
          tpu.enqueue_indirect_dma source(%dma_start3A_99 : memref<10000x128xf32, #tpu.memory_space<hbm>>) target(%arg9 : memref<80x128xf32, #tpu.memory_space<vmem>>) offsets(%dma_start3A_96 : memref<80xi32, #tpu.memory_space<vmem>>) semaphore(%arg13 : memref<!tpu.dma_semaphore, #tpu.memory_space<semaphore_mem>>)
        } else {
        }
      } else {
      }
    }
    %scan3A_34 = arith.constant 63 : i32
    %barrier3A_35 = arith.constant 0 : index
    tpu.barrier barrier_id(%barrier3A_35)
    %mul3A_36 = arith.constant 10000 : i32
    %mul3A_37 = arith.muli %arg0, %mul3A_36 : i32
    %mul3A_38 = arith.constant 625 : i32
    %mul3A_39 = arith.muli %arg1, %mul3A_38 : i32
    %add3A_40 = arith.addi %mul3A_37, %mul3A_39 : i32
    %mul3A_41 = arith.constant 625 : i32
    %mul3A_42 = arith.muli %arg1, %mul3A_41 : i32
    "tpu.region"() ({
      %run_scoped3A = tpu.sem_alloc : memref<!tpu.dma_semaphore, #tpu.memory_space<semaphore_mem>>
      %dma_start3A_43 = arith.constant 0 : i32
      %dma_start3A_44 = tpu.memref_slice %arg5[%add3A_40, %dma_start3A_43] : memref<20000x128xf32, #tpu.memory_space<hbm>> -> memref<625x128xf32, #tpu.memory_space<hbm>>
      %dma_start3A_45 = arith.constant 0 : i32
      %dma_start3A_46 = tpu.memref_slice %arg11[%mul3A_42, %dma_start3A_45] : memref<10000x128xf32, #tpu.memory_space<vmem_shared>> -> memref<625x128xf32, #tpu.memory_space<vmem_shared>>
      tpu.enqueue_dma source(%dma_start3A_46 : memref<625x128xf32, #tpu.memory_space<vmem_shared>>) target(%dma_start3A_44 : memref<625x128xf32, #tpu.memory_space<hbm>>) target_semaphore(%run_scoped3A : memref<!tpu.dma_semaphore, #tpu.memory_space<semaphore_mem>>)
      %dma_wait3A = arith.constant 0 : i32
      %dma_wait3A_47 = tpu.memref_slice %arg5[%add3A_40, %dma_wait3A] : memref<20000x128xf32, #tpu.memory_space<hbm>> -> memref<625x128xf32, #tpu.memory_space<hbm>>
      %dma_wait3A_48 = arith.constant 0 : i32
      %dma_wait3A_49 = tpu.memref_slice %arg11[%mul3A_42, %dma_wait3A_48] : memref<10000x128xf32, #tpu.memory_space<vmem_shared>> -> memref<625x128xf32, #tpu.memory_space<vmem_shared>>
      tpu.wait_dma2 semaphore(%run_scoped3A : memref<!tpu.dma_semaphore, #tpu.memory_space<semaphore_mem>>) src(%dma_wait3A_49 : memref<625x128xf32, #tpu.memory_space<vmem_shared>>) dst(%dma_wait3A_47 : memref<625x128xf32, #tpu.memory_space<hbm>>)
      tpu.yield
    }) : () -> ()
    return
  }
}

module attributes {stable_mosaic.version = 14 : i64} {
  func.func @_norm_tc_body(%arg0: memref<10000x128xf32, #tpu.memory_space<vmem>>, %arg1: memref<10240x2xf32, #tpu.memory_space<vmem>>, %arg2: memref<10000x128xf32, #tpu.memory_space<vmem>>) attributes {dimension_semantics = [], scalar_prefetch = 0 : i64, scratch_operands = 0 : i64, tpu.core_type = #tpu.core_type<tc>} {
    %get3A = arith.constant 0 : index
    %get3A_0 = arith.constant 0 : index
    %get3A_1 = vector.load %arg1[%get3A, %get3A_0] : memref<10240x2xf32, #tpu.memory_space<vmem>>, vector<10000x1xf32>
    %get3A_2 = arith.constant 0 : index
    %get3A_3 = arith.constant 1 : index
    %get3A_4 = vector.load %arg1[%get3A_2, %get3A_3] : memref<10240x2xf32, #tpu.memory_space<vmem>>, vector<10000x1xf32>
    %add3A = arith.addf %get3A_1, %get3A_4 : vector<10000x1xf32>
    %max3A = arith.constant 1.000000e+00 : f32
    %max3A_5 = vector.broadcast %max3A : f32 to vector<10000x1xf32>
    %max3A_6 = arith.maximumf %add3A, %max3A_5 : vector<10000x1xf32>
    %rsqrt3A = math.rsqrt %max3A_6 : vector<10000x1xf32>
    %get3A_7 = arith.constant 0 : index
    %get3A_8 = arith.constant 0 : index
    %get3A_9 = vector.load %arg0[%get3A_7, %get3A_8] : memref<10000x128xf32, #tpu.memory_space<vmem>>, vector<10000x128xf32>
    %mul3A = vector.broadcast %rsqrt3A : vector<10000x1xf32> to vector<10000x128xf32>
    %mul3A_10 = arith.mulf %get3A_9, %mul3A : vector<10000x128xf32>
    %swap3A = arith.constant 0 : index
    %swap3A_11 = arith.constant 0 : index
    %swap3A_12 = vector.load %arg2[%swap3A, %swap3A_11] : memref<10000x128xf32, #tpu.memory_space<vmem>>, vector<10000x128xf32>
    tpu.vector_store %arg2[%swap3A, %swap3A_11], %mul3A_10 {strides = array<i32>} : memref<10000x128xf32, #tpu.memory_space<vmem>>, vector<10000x128xf32>,
    return
  }
}

module attributes {stable_mosaic.version = 14 : i64} {
  func.func @_tail_tc_body(%arg0: memref<20000x128xf32, #tpu.memory_space<vmem>>, %arg1: memref<10240x2xf32, #tpu.memory_space<vmem>>, %arg2: memref<128x128xf32, #tpu.memory_space<vmem>>, %arg3: memref<1x128xf32, #tpu.memory_space<vmem>>, %arg4: memref<1x128xf32, #tpu.memory_space<vmem>>, %arg5: memref<1x128xf32, #tpu.memory_space<vmem>>, %arg6: memref<1x1xf32, #tpu.memory_space<vmem>>, %arg7: memref<1x1xf32, #tpu.memory_space<vmem>>, %arg8: memref<10000x128xf32, #tpu.memory_space<vmem>>) attributes {dimension_semantics = [], scalar_prefetch = 0 : i64, scratch_operands = 0 : i64, tpu.core_type = #tpu.core_type<tc>} {
    %get3A = arith.constant 0 : index
    %get3A_0 = arith.constant 0 : index
    %get3A_1 = vector.load %arg0[%get3A, %get3A_0] : memref<20000x128xf32, #tpu.memory_space<vmem>>, vector<10000x128xf32>
    %get3A_2 = arith.constant 10000 : index
    %get3A_3 = arith.constant 0 : index
    %get3A_4 = vector.load %arg0[%get3A_2, %get3A_3] : memref<20000x128xf32, #tpu.memory_space<vmem>>, vector<10000x128xf32>
    %add3A = arith.addf %get3A_1, %get3A_4 : vector<10000x128xf32>
    %get3A_5 = arith.constant 0 : index
    %get3A_6 = arith.constant 0 : index
    %get3A_7 = vector.load %arg1[%get3A_5, %get3A_6] : memref<10240x2xf32, #tpu.memory_space<vmem>>, vector<10000x1xf32>
    %get3A_8 = arith.constant 0 : index
    %get3A_9 = arith.constant 1 : index
    %get3A_10 = vector.load %arg1[%get3A_8, %get3A_9] : memref<10240x2xf32, #tpu.memory_space<vmem>>, vector<10000x1xf32>
    %add3A_11 = arith.addf %get3A_7, %get3A_10 : vector<10000x1xf32>
    %max3A = arith.constant 1.000000e+00 : f32
    %max3A_12 = vector.broadcast %max3A : f32 to vector<10000x1xf32>
    %max3A_13 = arith.maximumf %add3A_11, %max3A_12 : vector<10000x1xf32>
    %rsqrt3A = math.rsqrt %max3A_13 : vector<10000x1xf32>
    %mul3A = vector.broadcast %rsqrt3A : vector<10000x1xf32> to vector<10000x128xf32>
    %mul3A_14 = arith.mulf %add3A, %mul3A : vector<10000x128xf32>
    %get3A_15 = arith.constant 0 : index
    %get3A_16 = arith.constant 0 : index
    %get3A_17 = vector.load %arg2[%get3A_15, %get3A_16] : memref<128x128xf32, #tpu.memory_space<vmem>>, vector<128x128xf32>
    %dot_general3A = arith.constant dense<0.000000e+00> : vector<10000x128xf32>
    %dot_general3A_18 = tpu.matmul %mul3A_14, %get3A_17, %dot_general3A {dimension_numbers = #tpu.dot_dimension_numbers<[1], [0], [0], [1], [0, 0, 1, 1], [], []>, precision = #tpu.contract_precision<fp32>, transpose_lhs_hint = false} : vector<10000x128xf32>, vector<128x128xf32>, vector<10000x128xf32> -> vector<10000x128xf32>
    %get3A_19 = arith.constant 0 : index
    %get3A_20 = arith.constant 0 : index
    %get3A_21 = vector.load %arg3[%get3A_19, %get3A_20] : memref<1x128xf32, #tpu.memory_space<vmem>>, vector<1x128xf32>
    %add3A_22 = vector.broadcast %get3A_21 : vector<1x128xf32> to vector<10000x128xf32>
    %add3A_23 = arith.addf %dot_general3A_18, %add3A_22 : vector<10000x128xf32>
    %ge3A = arith.constant 0.000000e+00 : f32
    %ge3A_24 = vector.broadcast %ge3A : f32 to vector<10000x128xf32>
    %ge3A_25 = arith.cmpf oge, %add3A_23, %ge3A_24 : vector<10000x128xf32>
    %get3A_26 = arith.constant 0 : index
    %get3A_27 = arith.constant 0 : index
    %get3A_28 = vector.load %arg6[%get3A_26, %get3A_27] : memref<1x1xf32, #tpu.memory_space<vmem>>, vector<1x1xf32>
    %mul3A_29 = vector.broadcast %get3A_28 : vector<1x1xf32> to vector<10000x128xf32>
    %mul3A_30 = arith.mulf %mul3A_29, %add3A_23 : vector<10000x128xf32>
    %select_n3A = arith.select %ge3A_25, %add3A_23, %mul3A_30 : vector<10000x128xi1>, vector<10000x128xf32>
    %reduce_sum3A = arith.constant dense<0.000000e+00> : vector<128xf32>
    %reduce_sum3A_31 = vector.multi_reduction <add>, %select_n3A, %reduce_sum3A [0] : vector<10000x128xf32> to vector<128xf32>
    %broadcast_in_dim3A = vector.shape_cast %reduce_sum3A_31 : vector<128xf32> to vector<1x128xf32>
    %div3A = arith.constant 1.000000e+04 : f32
    %div3A_32 = vector.broadcast %div3A : f32 to vector<1x128xf32>
    %div3A_33 = arith.divf %broadcast_in_dim3A, %div3A_32 : vector<1x128xf32>
    %sub3A = vector.broadcast %div3A_33 : vector<1x128xf32> to vector<10000x128xf32>
    %sub3A_34 = arith.subf %select_n3A, %sub3A : vector<10000x128xf32>
    %integer_pow3A = arith.mulf %sub3A_34, %sub3A_34 : vector<10000x128xf32>
    %reduce_sum3A_35 = arith.constant dense<0.000000e+00> : vector<128xf32>
    %reduce_sum3A_36 = vector.multi_reduction <add>, %integer_pow3A, %reduce_sum3A_35 [0] : vector<10000x128xf32> to vector<128xf32>
    %broadcast_in_dim3A_37 = vector.shape_cast %reduce_sum3A_36 : vector<128xf32> to vector<1x128xf32>
    %div3A_38 = arith.constant 1.000000e+04 : f32
    %div3A_39 = vector.broadcast %div3A_38 : f32 to vector<1x128xf32>
    %div3A_40 = arith.divf %broadcast_in_dim3A_37, %div3A_39 : vector<1x128xf32>
    %sub3A_41 = vector.broadcast %div3A_33 : vector<1x128xf32> to vector<10000x128xf32>
    %sub3A_42 = arith.subf %select_n3A, %sub3A_41 : vector<10000x128xf32>
    %add3A_43 = arith.constant 9.99999974E-6 : f32
    %add3A_44 = vector.broadcast %add3A_43 : f32 to vector<1x128xf32>
    %add3A_45 = arith.addf %div3A_40, %add3A_44 : vector<1x128xf32>
    %rsqrt3A_46 = math.rsqrt %add3A_45 : vector<1x128xf32>
    %mul3A_47 = vector.broadcast %rsqrt3A_46 : vector<1x128xf32> to vector<10000x128xf32>
    %mul3A_48 = arith.mulf %sub3A_42, %mul3A_47 : vector<10000x128xf32>
    %get3A_49 = arith.constant 0 : index
    %get3A_50 = arith.constant 0 : index
    %get3A_51 = vector.load %arg4[%get3A_49, %get3A_50] : memref<1x128xf32, #tpu.memory_space<vmem>>, vector<1x128xf32>
    %mul3A_52 = vector.broadcast %get3A_51 : vector<1x128xf32> to vector<10000x128xf32>
    %mul3A_53 = arith.mulf %mul3A_48, %mul3A_52 : vector<10000x128xf32>
    %get3A_54 = arith.constant 0 : index
    %get3A_55 = arith.constant 0 : index
    %get3A_56 = vector.load %arg5[%get3A_54, %get3A_55] : memref<1x128xf32, #tpu.memory_space<vmem>>, vector<1x128xf32>
    %add3A_57 = vector.broadcast %get3A_56 : vector<1x128xf32> to vector<10000x128xf32>
    %add3A_58 = arith.addf %mul3A_53, %add3A_57 : vector<10000x128xf32>
    %ge3A_59 = arith.constant 0.000000e+00 : f32
    %ge3A_60 = vector.broadcast %ge3A_59 : f32 to vector<10000x128xf32>
    %ge3A_61 = arith.cmpf oge, %add3A_58, %ge3A_60 : vector<10000x128xf32>
    %get3A_62 = arith.constant 0 : index
    %get3A_63 = arith.constant 0 : index
    %get3A_64 = vector.load %arg7[%get3A_62, %get3A_63] : memref<1x1xf32, #tpu.memory_space<vmem>>, vector<1x1xf32>
    %mul3A_65 = vector.broadcast %get3A_64 : vector<1x1xf32> to vector<10000x128xf32>
    %mul3A_66 = arith.mulf %mul3A_65, %add3A_58 : vector<10000x128xf32>
    %select_n3A_67 = arith.select %ge3A_61, %add3A_58, %mul3A_66 : vector<10000x128xi1>, vector<10000x128xf32>
    %swap3A = arith.constant 0 : index
    %swap3A_68 = arith.constant 0 : index
    %swap3A_69 = vector.load %arg8[%swap3A, %swap3A_68] : memref<10000x128xf32, #tpu.memory_space<vmem>>, vector<10000x128xf32>
    tpu.vector_store %arg8[%swap3A, %swap3A_68], %select_n3A_67 {strides = array<i32>} : memref<10000x128xf32, #tpu.memory_space<vmem>>, vector<10000x128xf32>,
    return
  }
}

</mosaic_0001>

<sc_bundles>
// kernel: kernel.6.cloned.1.call-start
scs
__scs_entry_jumppad:
0x0: {  	(pc) =	sbr.rel $0x88, $3  }
0x1: {  	(tag) =	ssettag $0x0;
	lr =	simm.s32 $0x1  }
0x2: {  	[smem:$0x3F99] =	sst lr;
	_ =	strace $0xD0000000  }
0x3: {  	_ = 	snop  }
0x4: {  	_ = 	snop  }
0x5: {  	_ = 	snop  }
0x6: {  	_ = 	snop  }
0x7: {  	_ = 	snop  }
__scs_overlays_trampoline_lowered:
0x8: {  	[smem:$0x3FA8] =	sst s0  }
0x9: {  	[smem:$0x3FA9] =	sst s1  }
0xa: {  	[smem:$0x3FAA] =	sst s2  }
0xb: {  	[smem:$0x3FAB] =	sst s3  }
0xc: {  	[smem:$0x3FAC] =	sst s4  }
0xd: {  	[smem:$0x3FAD] =	sst s5  }
0xe: {  	[smem:$0x3FAE] =	sst s6  }
0xf: {  	[smem:$0x3FAF] =	sst s7  }
0x10: {  	[smem:$0x3FB0] =	sst s8  }
0x11: {  	[smem:$0x3FB1] =	sst s9;
	s0 =	simm.s32 @!p0 $0x0  }
0x12: {  	s1 =	sld [smem:$0x3F97];
	s0 =	simm.s32 @p0 $0x1  }
0x13: {  	[smem:$0x3FB2] =	sst s0;
	s0 =	simm.s32 @!p1 $0x0  }
0x14: {  	s2 =	sld [smem:$0x3F96];
	s0 =	simm.s32 @p1 $0x1  }
0x15: {  	[smem:$0x3FB3] =	sst s0;
	s0 =	simm.s32 @!p2 $0x0  }
0x16: {  	s3 =	sld [smem:$0x3FDB];
	s0 =	simm.s32 @p2 $0x1  }
0x17: {  	s4 =	simm.s32 $0x1BF5;
	[smem:$0x3FB5] =	sst s0  }
0x18: {  	s0 =	sld [smem:$0x3F98];
	_ =	swait.ge [sflag:s4], $0x0  }
0x19: {  	s7 =	sld [smem:$0x3F99]  }
0x1a: {  	s8 =	sadd.s32 $0xFFFFE003, lr  }
0x1b: {  	s9 =	sadd.s32 $0xFFFFFEF7, lr;
	s5 =	simm.s32 $0xFFFFFFFF;
	p2 =	slt.u32 s8, $0xFFFFF086  }
0x1c: {  	p1 =	slt.u32 s9, $0xF7A;
	s5 =	simm.s32 @!p2 $0x0  }
0x1d: {  	s5 =	simm.s32 @p1 $0x1;
	p0 =	seq.s32 s7, s2  }
0x1e: {  	s7 =	smul.u32 @!p0 $0xF7A, s2;
	p2 =	seq.s32 @!p0 s5, $0x0  }
0x1f: {  	s9 =	smul.u32 $0xF7A, s1;
	s8 =	simm.s32 @!p0 $0x1BF5;
	p2 =	por !p2, p0  }
0x20: {  	[sflag:s8] =	ssyncset.s32 @!p0 $0xFFFFF086;
	s6 =	sadd.s32 @!p0 s3, s7;
	s7 =	simm.s32 @!p0 $0x108  }
0x21: {  	s3 =	sadd.s32 s3, s9;
	s6 =	sadd.s32 @!p0 $0x88, s6;
	s7 =	simm.s32 @p2 $0x1082  }
0x22: {  	[simem:s7], [sflag:s8] =	dma.local @!p0 [hbm:s6], $0xF7A  }
0x23: {  	s9 =	sor.u32 $0xD0000000, s2;
	s6 =	simm.s32 $0x108;
	_ =	swait.ge @!p0 [sflag:s8], $0x0  }
0x24: {  	s3 =	sadd.s32 $0x88, s3;
	s6 =	simm.s32 @!p1 $0x1082;
	[sflag:s4] =	ssyncset.s32 $0xFFFFF086  }
0x25: {  	[simem:s6], [sflag:s4] =	dma.local [hbm:s3], $0xF7A  }
0x26: {  	[smem:$0x3F99] =	sst s1;
	(tag) =	ssettag s2;
	_ =	strace s9  }
0x27: {  	s1 =	sld [smem:$0x3FA9]  }
0x28: {  	s2 =	sld [smem:$0x3FAA]  }
0x29: {  	s4 =	sld [smem:$0x3FAC]  }
0x2a: {  	p0 =	seq.s32 s5, $0x0;
	s5 =	sld [smem:$0x3FAD]  }
0x2b: {  	s6 =	sld [smem:$0x3FAE]  }
0x2c: {  	s7 =	sld [smem:$0x3FAF]  }
0x2d: {  	s3 =	simm.s32 $0x108;
	s8 =	sld [smem:$0x3FB0]  }
0x2e: {  	s3 =	simm.s32 @!p0 $0x1082;
	s9 =	sld [smem:$0x3FB1]  }
0x2f: {  	lr =	sadd.s32 s0, s3;
	s0 =	sld [smem:$0x3FA8]  }
0x30: {  	s3 =	sld [smem:$0x3FAB]  }
0x31: {  	[smem:$0x3FB4] =	sst s10  }
0x32: {  	s10 =	sld [smem:$0x3FB2];
	_ =	sdelay $0x3  }
0x33: {  	p0 =	seq.s32 s10, $0x1;
	s10 =	sld [smem:$0x3FB4];
	_ =	sdelay $0x3  }
0x34: {  	[smem:$0x3FB4] =	sst s10  }
0x35: {  	s10 =	sld [smem:$0x3FB3];
	_ =	sdelay $0x3  }
0x36: {  	p1 =	seq.s32 s10, $0x1;
	s10 =	sld [smem:$0x3FB4];
	_ =	sdelay $0x3  }
0x37: {  	[smem:$0x3FB4] =	sst s10  }
0x38: {  	s10 =	sld [smem:$0x3FB5]  }
0x39: {  	_ = 	snop;
	(pc) =	sbr.ind lr, $3  }
0x3a: {  	_ = 	snop  }
0x3b: {  	_ = 	snop  }
0x3c: {  	p2 =	seq.s32 s10, $0x1;
	s10 =	sld [smem:$0x3FB4]  }
0x3d: {  	_ =	shalt  }
0x3e: {  	_ =	shalt  }
0x3f: {  	_ =	shalt  }
0x40: {  	_ =	shalt  }
0x41: {  	_ =	shalt  }
0x42: {  	_ =	shalt  }
0x43: {  	_ =	shalt  }
0x44: {  	_ =	shalt  }
0x45: {  	_ =	shalt  }
0x46: {  	_ =	shalt  }
0x47: {  	_ =	shalt  }
0x48: {  	_ =	shalt  }
0x49: {  	_ =	shalt  }
0x4a: {  	_ =	shalt  }
0x4b: {  	_ =	shalt  }
0x4c: {  	_ =	shalt  }
0x4d: {  	_ =	shalt  }
0x4e: {  	_ =	shalt  }
0x4f: {  	_ =	shalt  }
0x50: {  	_ =	shalt  }
0x51: {  	_ =	shalt  }
0x52: {  	_ =	shalt  }
0x53: {  	_ =	shalt  }
0x54: {  	_ =	shalt  }
0x55: {  	_ =	shalt  }
0x56: {  	_ =	shalt  }
0x57: {  	_ =	shalt  }
0x58: {  	_ =	shalt  }
0x59: {  	_ =	shalt  }
0x5a: {  	_ =	shalt  }
0x5b: {  	_ =	shalt  }
0x5c: {  	_ =	shalt  }
0x5d: {  	_ =	shalt  }
0x5e: {  	_ =	shalt  }
0x5f: {  	_ =	shalt  }
0x60: {  	_ =	shalt  }
0x61: {  	_ =	shalt  }
0x62: {  	_ =	shalt  }
0x63: {  	_ =	shalt  }
0x64: {  	_ =	shalt  }
0x65: {  	_ =	shalt  }
0x66: {  	_ =	shalt  }
0x67: {  	_ =	shalt  }
0x68: {  	_ =	shalt  }
0x69: {  	_ =	shalt  }
0x6a: {  	_ =	shalt  }
0x6b: {  	_ =	shalt  }
0x6c: {  	_ =	shalt  }
0x6d: {  	_ =	shalt  }
0x6e: {  	_ =	shalt  }
0x6f: {  	_ =	shalt  }
0x70: {  	_ =	shalt  }
0x71: {  	_ =	shalt  }
0x72: {  	_ =	shalt  }
0x73: {  	_ =	shalt  }
0x74: {  	_ =	shalt  }
0x75: {  	_ =	shalt  }
0x76: {  	_ =	shalt  }
0x77: {  	_ =	shalt  }
0x78: {  	_ =	shalt  }
0x79: {  	_ =	shalt  }
0x7a: {  	_ =	shalt  }
0x7b: {  	_ =	shalt  }
0x7c: {  	_ =	shalt  }
0x7d: {  	_ =	shalt  }
0x7e: {  	_ =	shalt  }
0x7f: {  	_ =	shalt  }
0x80: {  	_ =	shalt  }
0x81: {  	_ =	shalt  }
0x82: {  	_ =	shalt  }
0x83: {  	_ =	shalt  }
0x84: {  	_ =	shalt  }
0x85: {  	_ =	shalt  }
0x86: {  	_ =	shalt  }
0x87: {  	_ =	shalt  }
.Lfunc_end0:
.L_simem_size_0:
called_computation_lowered:
.L_overlay_start_0:
0x88: {  	s2 =	sld [smem:$0x3FD9]  }
0x89: {  	s3 =	sld [smem:$0x3FFE];
	_ =	sdelay $0x1  }
0x8a: {  	s1 =	srdreg.scid  }
0x8b: {  	s0 =	sand.u32 $0x1, s1  }
0x8c: {  	s17 =	sshll.u32 s0, $0xA;
	s2 =	sadd.s32 s3, s2  }
0x8d: {  	s2 =	sadd.s32 s2, s17  }
0x8e: {  	[smem:$0x3FC0] =	sst s2  }
0x8f: {  	_ = 	snop  }
0x90: {  	s2 =	sld [smem:$0x3FD0];
	(tm) =	ssettm $0x1  }
0x91: {  	s18 =	sld [smem:$0x3FFB];
	_ =	sdelay $0x3  }
0x92: {  	_ =	strace s18  }
0x93: {  	s3 =	sld [smem:$0x3FFC];
	_ =	sdelay $0x3  }
0x94: {  	_ =	strace s3  }
0x95: {  	s3 =	sld [smem:$0x3FFD];
	_ =	sdelay $0x3  }
0x96: {  	_ =	strace s3  }
0x97: {  	_ =	strace $0x8FFFFFFF  }
0x98: {  	s19 =	sld [smem:$0x3FDB];
	_ =	sdelay $0x1  }
0x99: {  	s4 =	simm.s32 $_scs_section_size  }
0x9a: {  	s5 =	simm.s32 $_size__tile_overlayer_lowered;
	s6 =	simm.s32 $_tile_overlayer_lowered  }
0x9b: {  	s22 =	simm.s32 $0x1BFF;
	s21 =	sshll.u32 s6, $0x1;
	s3 =	sadd.s32 s4, s19  }
0x9c: {  	s7 =	simm.s32 $0x0;
	s20 =	sshll.u32 s5, $0x1;
	s5 =	sadd.s32 s21, s3  }
0x9d: {  	[timem:s7], [sflag:s22] =	dma.local [hbm:s5], s20  }
0x9e: {  	_ =	swait.ge [sflag:s22], s20  }
0x9f: {  	s4 =	ssub.s32 $0x0, s20;
	[sflag:s22] =	ssyncset.done $0x0  }
0xa0: {  	[sflag:s22] =	ssyncadd.s32 s4;
	_ =	sdelay $0x1  }
0xa1: {  	s23 =	simm.s32 $0x1B8B  }
0xa2: {  	_ =	swait.ge [sflag:s23], $0x1  }
0xa3: {  	[sflag:s23] =	ssyncset.done $0x0  }
0xa4: {  	s25 =	simm.s32 $0x1B8E;
	s24 =	sld [smem:$0x3FFE];
	[sflag:s23] =	ssyncadd.s32 $0xFFFFFFFF  }
0xa5: {  	s26 =	simm.s32 $execute0_lowered;
	[smem:$0x3FD2] =	sst s25  }
0xa6: {  	s5 =	sshll.u32 s26, $0x1;
	_ =	strace $0x80000046;
	[dreg:$0x1] =	wrdreg $0xFFFFFFFF  }
0xa7: {  	s28 =	simm.s32 $_size_execute0_lowered;
	s3 =	sadd.s32 s3, s5;
	[dreg:$0x0] =	wrdreg $0x0  }
0xa8: {  	s5 =	sshll.u32 s28, $0x1;
	[dreg:$0x2] =	wrdreg s3  }
0xa9: {  	[dreg:$0x3] =	wrdreg s5  }
0xaa: {  	[dreg:$0x4] =	wrdreg $0xC0  }
0xab: {  	_ =	task [dreg:s7], $0x5FFFF  }
0xac: {  	[dreg:$0x1] =	wrdreg $0xFFFFFFFF  }
0xad: {  	[dreg:$0x0] =	wrdreg $0x60  }
0xae: {  	[dreg:$0x2] =	wrdreg s24  }
0xaf: {  	[dreg:$0x3] =	wrdreg s2  }
0xb0: {  	[dreg:$0x4] =	wrdreg $0x4E700  }
0xb1: {  	[dreg:$0x5] =	wrdreg $0x50F00  }
0xb2: {  	[dreg:$0x6] =	wrdreg $0x9  }
0xb3: {  	_ =	task.clear_ibuf [dreg:s7], $0x7FFFF;
	_ =	strace $0x90000046  }
0xb4: {  	s29 =	simm.s32 $0x9;
	_ =	strace $0x80000048  }
0xb5: {  	_ =	swait.ge [sflag:s29], $0x1  }
0xb6: {  	[sflag:s29] =	ssyncadd.s32 $0xFFFFFFFF  }
0xb7: {  	_ =	strace $0x90000048  }
0xb8: {  	_ =	sfence  }
0xb9: {  	s30 =	sld [smem:$0x0];
	_ =	sdelay $0x2  }
0xba: {  	s31 =	sshll.u32 s1, $0xD;
	s1 =	sshrl.u32 s1, $0x2  }
0xbb: {  	s3 =	sand.u32 $0x4000, s31;
	s1 =	sadd.s32 s1, s30  }
0xbc: {  	s0 =	sor.u32 s3, s0;
	s1 =	sshll.u32 s1, $0x11  }
0xbd: {  	s0 =	sor.u32 s1, s0  }
0xbe: {  	s0 =	sadd.s32 $0x8F2B, s0  }
0xbf: {  	[sflag:s0] =	ssyncadd.remote.s32 $0x1  }
0xc0: {  	_ =	sfence.sel $0xFFFF  }
0xc1: {  	[dreg:$0x0] =	wrdreg $0xFFFFFFFF;
	(pc) =	sbr.abs _section_cstart, $3  }
0xc2: {  	[dreg:$0x1] =	wrdreg $0xFFFFFFFF  }
0xc3: {  	_ =	task.clear_ibuf [dreg:s7], $0x2FFFF;
	_ =	strace $0x9FFFFFFF  }
0xc4: {  	(tm) =	ssettm $0x7FFFFFFF  }
0xc5: {  	_ =	shalt  }
tec
execute0_lowered:
.L_overlay_start_1:
0x0: {  	(tag) =	ssettag $0x1  }
0x1: {  	s6 =	rddreg [dreg:$0x0]  }
0x2: {  	s8 =	rddreg [dreg:$0x1]  }
0x3: {  	s1 =	srdreg.scid;
	s2 =	rddreg [dreg:$0x2]  }
0x4: {  	s0 =	stileid.u32;
	s3 =	rddreg [dreg:$0x3];
	s4 =	simm.s32 $0x0  }
0x5: {  	s14 =	simm.s32 $0x2710;
	s15 =	simm.s32 $0x50;
	s16 =	simm.s32 $0x4E20  }
0x6: {  	s17 =	simm.s32 $0x1;
	s18 =	simm.s32 $0x2;
	s21 =	simm.s32 $0x0  }
0x7: {  	s5 =	sand.u32 $0x1, s1;
	s31 =	sshll.u32 s0, $0x1;
	s10 =	smul.u32 $0x280, s0  }
0x8: {  	[smem:$0x7FF] =	sst s4;
	p0 =	sne.s32 s0, $0x0;
	s1 =	sor.u32 s5, s31  }
0x9: {  	s9 =	smul.u32 $0x2800, s5;
	s11 =	ssub.s32 $0x2, s5;
	s5 =	sadd.s32 $0x15600, s6  }
0xa: {  	s7 =	smul.u32 $0x4E2, s1;
	s1 =	rddreg [dreg:$0x4];
	_ =	strace $0x80000047  }
0xb: {  	s12 =	sshrl.u32 s11, $0x1;
	s19 =	sadd.s32 s10, s2;
	s20 =	sadd.s32 s10, s3  }
0xc: {  	s9 =	sadd.s32 s10, s9;
	s11 =	ssub.s32 s11, s12;
	s12 =	sshrl.u32 @!p0 s3, $0x3  }
0xd: {  	s19 =	sshrl.u32 s19, $0x3;
	s20 =	sshrl.u32 s20, $0x3;
	s7 =	sadd.s32 s7, s6  }
0xe: {  	s9 =	sshrl.u32 s9, $0x3;
	s10 =	smax.u32 s11, $0x1;
	s11 =	sshrl.u32 @!p0 s2, $0x3  }
0xf: {  	s13 =	sadd.s32 s9, s6;
	s6 =	sadd.s32 $0xB800, s7;
	s7 =	sadd.s32 $0x1A00, s7  }
0x10: {  	v0 =	vimm.f32 $1.000000000e+00;
	s8 =	sadd.s32 s8, s9;
	s9 =	sadd.s32 $0x15C00, s13;
	s13 =	simm.s32 $0x3  }
.LBB2_1:
0x11: {  	s22 =	simm.s32 @!p0 $0x1C03;
	s23 =	simm.s32 @!p0 $0x3  }
0x12: {  	[spmem:s11], [sflag:s22] =	dma.local @!p0 [hbm:s5], $0x500  }
0x13: {  	_ =	swait.ge @!p0 [sflag:s23], $0x500  }
0x14: {  	[sflag:s23] =	ssyncset.done @!p0 $0x0  }
0x15: {  	[sflag:s23] =	ssyncadd.s32 @!p0 $0xFFFFFB00  }
0x16: {  	[spmem:s12], [sflag:s22] =	dma.local @!p0 [hbm:s5], $0x500  }
0x17: {  	_ =	swait.ge @!p0 [sflag:s23], $0x500  }
0x18: {  	[sflag:s23] =	ssyncset.done @!p0 $0x0  }
0x19: {  	[sflag:s23] =	ssyncadd.s32 @!p0 $0xFFFFFB00  }
0x1a: {  	[tilespmem:$0x4E20] =	vst v0  }
0x1b: {  	[tilespmem:$0x4E30] =	vst v0  }
0x1c: {  	[tilespmem:$0x4E40] =	vst v0  }
0x1d: {  	[tilespmem:$0x4E50] =	vst v0  }
0x1e: {  	[tilespmem:$0x4E60] =	vst v0  }
0x1f: {  	[tilespmem:s4], [sflag:$0x3] =	stream.linear.gather [hbm4b:s6+s4], $0x2710, $0x38;
	[tilespmem:$0x5370] =	vst v63  }
0x20: {  	_ =	swait.ge [sflag:s13], $0x2710  }
0x21: {  	[sflag:s13] =	ssyncset.done $0x0  }
0x22: {  	[sflag:s13] =	ssyncadd.s32 $0xFFFFD8F0  }
0x23: {  	[tilespmem:s14], [sflag:$0x3] =	stream.linear.gather [hbm4b:s7+s4], $0x2710, $0x38;
	[tilespmem:$0x5370] =	vst v63  }
0x24: {  	_ =	swait.ge [sflag:s13], $0x2710  }
0x25: {  	[sflag:s13] =	ssyncset.done $0x0  }
0x26: {  	s31 =	simm.s32 $0x0;
	[sflag:s13] =	ssyncadd.s32 $0xFFFFD8F0  }
0x27: {  	s22 =	simm.s32 $0x140;
	s23 =	simm.s32 $0x2710;
	[bflag:$0x0] =	sbarrier.arrive $0xFFFF  }
0x28: {  	[spmem:s2] =	stream.indirect.scatter.add.f32 [tilespmem:s16], [sflag:$0x1], $0x1, s31, s15, $0xb8;
	[tilespmem:$0x5370] =	vst v63  }
.LBB2_2:
0x29: {  	[spmem:s3] =	stream.indirect.scatter.add.f32 [tilespmem:s16], [sflag:$0x2], $0x1, s23, s15, $0xb8;
	[tilespmem:$0x5370] =	vst v63  }
0x2a: {  	s23 =	smov.u32 s22;
	p1 =	sne.s32 s22, $0x9B00  }
.Ltmp0:
0x2b: {  	s22 =	sadd.s32 $0x140, s22;
	(pc) =	sbr.rel @p1 .LBB2_2-.Ltmp0, $4  }
0x2c: {  	_ = 	snop  }
0x2d: {  	s23 =	sshra.s32 s23, $0x2  }
0x2e: {  	[spmem:s2] =	stream.indirect.scatter.add.f32 [tilespmem:s16], [sflag:$0x1], $0x1, s23, s15, $0xb8;
	[tilespmem:$0x5370] =	vst v63  }
0x2f: {  	s23 =	sadd.s32 $0x2710, s23  }
0x30: {  	[spmem:s3] =	stream.indirect.scatter.add.f32 [tilespmem:s16], [sflag:$0x2], $0x1, s23, s15, $0xb8;
	[tilespmem:$0x5370] =	vst v63  }
0x31: {  	_ =	swait.ge [sflag:s17], $0x50  }
0x32: {  	[sflag:s17] =	ssyncset.done $0x0  }
0x33: {  	[sflag:s17] =	ssyncadd.s32 $0xFFFFFFB0  }
0x34: {  	_ =	swait.ge [sflag:s18], $0x50  }
0x35: {  	s22 =	simm.s32 $0x7C;
	[sflag:s18] =	ssyncset.done $0x0  }
.LBB2_4:
0x36: {  	p1 =	sne.s32 s22, $0x1;
	s22 =	sadd.s32 $0xFFFFFFFF, s22;
	[sflag:s18] =	ssyncadd.s32 $0xFFFFFFB0  }
.Ltmp1:
0x37: {  	_ =	swait.ge [sflag:s17], $0x50;
	(pc) =	sbr.rel @p1 .LBB2_4-.Ltmp1, $4  }
0x38: {  	[sflag:s17] =	ssyncset.done $0x0  }
0x39: {  	[sflag:s17] =	ssyncadd.s32 $0xFFFFFFB0  }
0x3a: {  	_ =	swait.ge [sflag:s18], $0x50  }
0x3b: {  	[sflag:s18] =	ssyncset.done $0x0  }
0x3c: {  	[sflag:s18] =	ssyncadd.s32 $0xFFFFFFB0;
	s22 =	sshll.u32 s0, $0x6  }
0x3d: {  	[bflag:$0x0] =	sbarrier.arrive $0xFFFF;
	s22 =	sor.u32 $0x1C03, s22  }
0x3e: {  	[hbm:s8], [sflag:s22] =	dma.local [spmem:s19], $0x50  }
0x3f: {  	s21 =	sadd.s32 $0x1, s21;
	_ =	swait.ge [sflag:s13], $0x50  }
0x40: {  	p1 =	sne.s32 s21, s10;
	[sflag:s13] =	ssyncset.done $0x0  }
.Ltmp2:
0x41: {  	[sflag:s13] =	ssyncadd.s32 $0xFFFFFFB0;
	(pc) =	sbr.rel @p1 .LBB2_1-.Ltmp2, $4  }
0x42: {  	[hbm:s9], [sflag:s22] =	dma.local [spmem:s20], $0x50  }
0x43: {  	_ =	swait.ge [sflag:s13], $0x50  }
0x44: {  	[sflag:s13] =	ssyncset.done $0x0  }
0x45: {  	[sflag:s13] =	ssyncadd.s32 $0xFFFFFFB0  }
0x46: {  	_ =	sfence.sel $0x180000  }
0x47: {  	[bflag:$0x0] =	sbarrier.arrive $0xFFFF  }
0x48: {  	_ =	strace $0x90000047  }
0x49: {  	s0 =	sadd.s32 @!p0 $0x100000, s1;
	[bflag:$0x2] =	sbarrier.arrive $0xFFFF  }
0x4a: {  	[sflag:s0] =	ssyncadd.tile.s32 @!p0 $0x1;
	_ =	shalt  }
.Lfunc_end2:
_tile_overlayer_lowered:
.L_overlay_start_2:
0x4b: {  	(tag) =	ssettag $0x2  }
0x4c: {  	s0 =	rddreg [dreg:$0x0];
	s2 =	stileid.u32  }
0x4d: {  	s1 =	rddreg [dreg:$0x1];
	p0 =	sne.s32 s2, $0x0  }
0x4e: {  	s3 =	rddreg [dreg:$0x2];
	[bflag:$0x3] =	sbarrier.arrive $0xFFFF;
	s2 =	simm.s32 @!p0 $0x1C03  }
0x4f: {  	[timem:s3], [sflag:s2] =	dma.local @!p0 [hbm:s0], s1  }
0x50: {  	s0 =	simm.s32 @!p0 $0x3  }
0x51: {  	_ =	swait.ge @!p0 [sflag:s0], s1  }
0x52: {  	s1 =	ssub.s32 @!p0 $0x0, s1;
	[sflag:s0] =	ssyncset.done @!p0 $0x0  }
0x53: {  	[sflag:s0] =	ssyncadd.s32 @!p0 s1  }
0x54: {  	[bflag:$0x3] =	sbarrier.arrive $0xFFFF  }
0x55: {  	_ =	shalt  }

// kernel: kernel.9.cloned.1.call-start
scs
__scs_entry_jumppad:
0x0: {  	(pc) =	sbr.rel $0x88, $3  }
0x1: {  	(tag) =	ssettag $0x0;
	lr =	simm.s32 $0x1  }
0x2: {  	[smem:$0x3F99] =	sst lr;
	_ =	strace $0xD0000000  }
0x3: {  	_ = 	snop  }
0x4: {  	_ = 	snop  }
0x5: {  	_ = 	snop  }
0x6: {  	_ = 	snop  }
0x7: {  	_ = 	snop  }
__scs_overlays_trampoline_lowered:
0x8: {  	[smem:$0x3FA8] =	sst s0  }
0x9: {  	[smem:$0x3FA9] =	sst s1  }
0xa: {  	[smem:$0x3FAA] =	sst s2  }
0xb: {  	[smem:$0x3FAB] =	sst s3  }
0xc: {  	[smem:$0x3FAC] =	sst s4  }
0xd: {  	[smem:$0x3FAD] =	sst s5  }
0xe: {  	[smem:$0x3FAE] =	sst s6  }
0xf: {  	[smem:$0x3FAF] =	sst s7  }
0x10: {  	[smem:$0x3FB0] =	sst s8  }
0x11: {  	[smem:$0x3FB1] =	sst s9;
	s0 =	simm.s32 @!p0 $0x0  }
0x12: {  	s1 =	sld [smem:$0x3F97];
	s0 =	simm.s32 @p0 $0x1  }
0x13: {  	[smem:$0x3FB2] =	sst s0;
	s0 =	simm.s32 @!p1 $0x0  }
0x14: {  	s2 =	sld [smem:$0x3F96];
	s0 =	simm.s32 @p1 $0x1  }
0x15: {  	[smem:$0x3FB3] =	sst s0;
	s0 =	simm.s32 @!p2 $0x0  }
0x16: {  	s3 =	sld [smem:$0x3FDB];
	s0 =	simm.s32 @p2 $0x1  }
0x17: {  	s4 =	simm.s32 $0x1BF5;
	[smem:$0x3FB5] =	sst s0  }
0x18: {  	s0 =	sld [smem:$0x3F98];
	_ =	swait.ge [sflag:s4], $0x0  }
0x19: {  	s7 =	sld [smem:$0x3F99]  }
0x1a: {  	s8 =	sadd.s32 $0xFFFFE003, lr  }
0x1b: {  	s9 =	sadd.s32 $0xFFFFFEF7, lr;
	s5 =	simm.s32 $0xFFFFFFFF;
	p2 =	slt.u32 s8, $0xFFFFF086  }
0x1c: {  	p1 =	slt.u32 s9, $0xF7A;
	s5 =	simm.s32 @!p2 $0x0  }
0x1d: {  	s5 =	simm.s32 @p1 $0x1;
	p0 =	seq.s32 s7, s2  }
0x1e: {  	s7 =	smul.u32 @!p0 $0xF7A, s2;
	p2 =	seq.s32 @!p0 s5, $0x0  }
0x1f: {  	s9 =	smul.u32 $0xF7A, s1;
	s8 =	simm.s32 @!p0 $0x1BF5;
	p2 =	por !p2, p0  }
0x20: {  	[sflag:s8] =	ssyncset.s32 @!p0 $0xFFFFF086;
	s6 =	sadd.s32 @!p0 s3, s7;
	s7 =	simm.s32 @!p0 $0x108  }
0x21: {  	s3 =	sadd.s32 s3, s9;
	s6 =	sadd.s32 @!p0 $0x88, s6;
	s7 =	simm.s32 @p2 $0x1082  }
0x22: {  	[simem:s7], [sflag:s8] =	dma.local @!p0 [hbm:s6], $0xF7A  }
0x23: {  	s9 =	sor.u32 $0xD0000000, s2;
	s6 =	simm.s32 $0x108;
	_ =	swait.ge @!p0 [sflag:s8], $0x0  }
0x24: {  	s3 =	sadd.s32 $0x88, s3;
	s6 =	simm.s32 @!p1 $0x1082;
	[sflag:s4] =	ssyncset.s32 $0xFFFFF086  }
0x25: {  	[simem:s6], [sflag:s4] =	dma.local [hbm:s3], $0xF7A  }
0x26: {  	[smem:$0x3F99] =	sst s1;
	(tag) =	ssettag s2;
	_ =	strace s9  }
0x27: {  	s1 =	sld [smem:$0x3FA9]  }
0x28: {  	s2 =	sld [smem:$0x3FAA]  }
0x29: {  	s4 =	sld [smem:$0x3FAC]  }
0x2a: {  	p0 =	seq.s32 s5, $0x0;
	s5 =	sld [smem:$0x3FAD]  }
0x2b: {  	s6 =	sld [smem:$0x3FAE]  }
0x2c: {  	s7 =	sld [smem:$0x3FAF]  }
0x2d: {  	s3 =	simm.s32 $0x108;
	s8 =	sld [smem:$0x3FB0]  }
0x2e: {  	s3 =	simm.s32 @!p0 $0x1082;
	s9 =	sld [smem:$0x3FB1]  }
0x2f: {  	lr =	sadd.s32 s0, s3;
	s0 =	sld [smem:$0x3FA8]  }
0x30: {  	s3 =	sld [smem:$0x3FAB]  }
0x31: {  	[smem:$0x3FB4] =	sst s10  }
0x32: {  	s10 =	sld [smem:$0x3FB2];
	_ =	sdelay $0x3  }
0x33: {  	p0 =	seq.s32 s10, $0x1;
	s10 =	sld [smem:$0x3FB4];
	_ =	sdelay $0x3  }
0x34: {  	[smem:$0x3FB4] =	sst s10  }
0x35: {  	s10 =	sld [smem:$0x3FB3];
	_ =	sdelay $0x3  }
0x36: {  	p1 =	seq.s32 s10, $0x1;
	s10 =	sld [smem:$0x3FB4];
	_ =	sdelay $0x3  }
0x37: {  	[smem:$0x3FB4] =	sst s10  }
0x38: {  	s10 =	sld [smem:$0x3FB5]  }
0x39: {  	_ = 	snop;
	(pc) =	sbr.ind lr, $3  }
0x3a: {  	_ = 	snop  }
0x3b: {  	_ = 	snop  }
0x3c: {  	p2 =	seq.s32 s10, $0x1;
	s10 =	sld [smem:$0x3FB4]  }
0x3d: {  	_ =	shalt  }
0x3e: {  	_ =	shalt  }
0x3f: {  	_ =	shalt  }
0x40: {  	_ =	shalt  }
0x41: {  	_ =	shalt  }
0x42: {  	_ =	shalt  }
0x43: {  	_ =	shalt  }
0x44: {  	_ =	shalt  }
0x45: {  	_ =	shalt  }
0x46: {  	_ =	shalt  }
0x47: {  	_ =	shalt  }
0x48: {  	_ =	shalt  }
0x49: {  	_ =	shalt  }
0x4a: {  	_ =	shalt  }
0x4b: {  	_ =	shalt  }
0x4c: {  	_ =	shalt  }
0x4d: {  	_ =	shalt  }
0x4e: {  	_ =	shalt  }
0x4f: {  	_ =	shalt  }
0x50: {  	_ =	shalt  }
0x51: {  	_ =	shalt  }
0x52: {  	_ =	shalt  }
0x53: {  	_ =	shalt  }
0x54: {  	_ =	shalt  }
0x55: {  	_ =	shalt  }
0x56: {  	_ =	shalt  }
0x57: {  	_ =	shalt  }
0x58: {  	_ =	shalt  }
0x59: {  	_ =	shalt  }
0x5a: {  	_ =	shalt  }
0x5b: {  	_ =	shalt  }
0x5c: {  	_ =	shalt  }
0x5d: {  	_ =	shalt  }
0x5e: {  	_ =	shalt  }
0x5f: {  	_ =	shalt  }
0x60: {  	_ =	shalt  }
0x61: {  	_ =	shalt  }
0x62: {  	_ =	shalt  }
0x63: {  	_ =	shalt  }
0x64: {  	_ =	shalt  }
0x65: {  	_ =	shalt  }
0x66: {  	_ =	shalt  }
0x67: {  	_ =	shalt  }
0x68: {  	_ =	shalt  }
0x69: {  	_ =	shalt  }
0x6a: {  	_ =	shalt  }
0x6b: {  	_ =	shalt  }
0x6c: {  	_ =	shalt  }
0x6d: {  	_ =	shalt  }
0x6e: {  	_ =	shalt  }
0x6f: {  	_ =	shalt  }
0x70: {  	_ =	shalt  }
0x71: {  	_ =	shalt  }
0x72: {  	_ =	shalt  }
0x73: {  	_ =	shalt  }
0x74: {  	_ =	shalt  }
0x75: {  	_ =	shalt  }
0x76: {  	_ =	shalt  }
0x77: {  	_ =	shalt  }
0x78: {  	_ =	shalt  }
0x79: {  	_ =	shalt  }
0x7a: {  	_ =	shalt  }
0x7b: {  	_ =	shalt  }
0x7c: {  	_ =	shalt  }
0x7d: {  	_ =	shalt  }
0x7e: {  	_ =	shalt  }
0x7f: {  	_ =	shalt  }
0x80: {  	_ =	shalt  }
0x81: {  	_ =	shalt  }
0x82: {  	_ =	shalt  }
0x83: {  	_ =	shalt  }
0x84: {  	_ =	shalt  }
0x85: {  	_ =	shalt  }
0x86: {  	_ =	shalt  }
0x87: {  	_ =	shalt  }
.Lfunc_end0:
.L_simem_size_0:
called_computation.1_lowered:
.L_overlay_start_0:
0x88: {  	s2 =	sld [smem:$0x3FD9]  }
0x89: {  	s3 =	sld [smem:$0x3FFE];
	_ =	sdelay $0x1  }
0x8a: {  	s1 =	srdreg.scid  }
0x8b: {  	s0 =	sand.u32 $0x1, s1  }
0x8c: {  	s17 =	sshll.u32 s0, $0xA;
	s2 =	sadd.s32 s3, s2  }
0x8d: {  	s2 =	sadd.s32 s2, s17  }
0x8e: {  	[smem:$0x3FC0] =	sst s2  }
0x8f: {  	_ = 	snop  }
0x90: {  	s2 =	sld [smem:$0x3FD0];
	(tm) =	ssettm $0x1  }
0x91: {  	s18 =	sld [smem:$0x3FFB];
	_ =	sdelay $0x3  }
0x92: {  	_ =	strace s18  }
0x93: {  	s3 =	sld [smem:$0x3FFC];
	_ =	sdelay $0x3  }
0x94: {  	_ =	strace s3  }
0x95: {  	s3 =	sld [smem:$0x3FFD];
	_ =	sdelay $0x3  }
0x96: {  	_ =	strace s3  }
0x97: {  	_ =	strace $0x8FFFFFFF  }
0x98: {  	s19 =	sld [smem:$0x3FDB];
	_ =	sdelay $0x1  }
0x99: {  	s4 =	simm.s32 $_scs_section_size  }
0x9a: {  	s5 =	simm.s32 $_size__tile_overlayer_lowered;
	s6 =	simm.s32 $_tile_overlayer_lowered  }
0x9b: {  	s22 =	simm.s32 $0x1BFF;
	s21 =	sshll.u32 s6, $0x1;
	s3 =	sadd.s32 s4, s19  }
0x9c: {  	s7 =	simm.s32 $0x0;
	s20 =	sshll.u32 s5, $0x1;
	s5 =	sadd.s32 s21, s3  }
0x9d: {  	[timem:s7], [sflag:s22] =	dma.local [hbm:s5], s20  }
0x9e: {  	_ =	swait.ge [sflag:s22], s20  }
0x9f: {  	s4 =	ssub.s32 $0x0, s20;
	[sflag:s22] =	ssyncset.done $0x0  }
0xa0: {  	[sflag:s22] =	ssyncadd.s32 s4;
	_ =	sdelay $0x1  }
0xa1: {  	s23 =	simm.s32 $0x1B8B  }
0xa2: {  	_ =	swait.ge [sflag:s23], $0x1  }
0xa3: {  	[sflag:s23] =	ssyncset.done $0x0  }
0xa4: {  	s25 =	simm.s32 $0x1B8E;
	s24 =	sld [smem:$0x3FFE];
	[sflag:s23] =	ssyncadd.s32 $0xFFFFFFFF  }
0xa5: {  	s26 =	simm.s32 $execute0_lowered;
	[smem:$0x3FD2] =	sst s25  }
0xa6: {  	s5 =	sshll.u32 s26, $0x1;
	_ =	strace $0x80000049;
	[dreg:$0x1] =	wrdreg $0xFFFFFFFF  }
0xa7: {  	s28 =	simm.s32 $_size_execute0_lowered;
	s3 =	sadd.s32 s3, s5;
	[dreg:$0x0] =	wrdreg $0x0  }
0xa8: {  	s5 =	sshll.u32 s28, $0x1;
	[dreg:$0x2] =	wrdreg s3  }
0xa9: {  	[dreg:$0x3] =	wrdreg s5  }
0xaa: {  	[dreg:$0x4] =	wrdreg $0xC0  }
0xab: {  	_ =	task [dreg:s7], $0x5FFFF  }
0xac: {  	[dreg:$0x1] =	wrdreg $0xFFFFFFFF  }
0xad: {  	[dreg:$0x0] =	wrdreg $0x60  }
0xae: {  	[dreg:$0x2] =	wrdreg s2  }
0xaf: {  	[dreg:$0x3] =	wrdreg s24  }
0xb0: {  	[dreg:$0x4] =	wrdreg $0xBE200  }
0xb1: {  	[dreg:$0x5] =	wrdreg $0x9  }
0xb2: {  	_ =	task.clear_ibuf [dreg:s7], $0x6FFFF;
	_ =	strace $0x90000049  }
0xb3: {  	s29 =	simm.s32 $0x9;
	_ =	strace $0x8000004B  }
0xb4: {  	_ =	swait.ge [sflag:s29], $0x1  }
0xb5: {  	[sflag:s29] =	ssyncadd.s32 $0xFFFFFFFF  }
0xb6: {  	_ =	strace $0x9000004B  }
0xb7: {  	_ =	sfence  }
0xb8: {  	s30 =	sld [smem:$0x0];
	_ =	sdelay $0x2  }
0xb9: {  	s31 =	sshll.u32 s1, $0xD;
	s1 =	sshrl.u32 s1, $0x2  }
0xba: {  	s3 =	sand.u32 $0x4000, s31;
	s1 =	sadd.s32 s1, s30  }
0xbb: {  	s0 =	sor.u32 s3, s0;
	s1 =	sshll.u32 s1, $0x11  }
0xbc: {  	s0 =	sor.u32 s1, s0  }
0xbd: {  	s0 =	sadd.s32 $0x8F2B, s0  }
0xbe: {  	[sflag:s0] =	ssyncadd.remote.s32 $0x1  }
0xbf: {  	_ =	sfence.sel $0xFFFF  }
0xc0: {  	[dreg:$0x0] =	wrdreg $0xFFFFFFFF;
	(pc) =	sbr.abs _section_cstart, $3  }
0xc1: {  	[dreg:$0x1] =	wrdreg $0xFFFFFFFF  }
0xc2: {  	_ =	task.clear_ibuf [dreg:s7], $0x2FFFF;
	_ =	strace $0x9FFFFFFF  }
0xc3: {  	(tm) =	ssettm $0x7FFFFFFF  }
tec
execute0_lowered:
.L_overlay_start_1:
0x0: {  	(tag) =	ssettag $0x1  }
0x1: {  	s0 =	srdreg.scid;
	s1 =	rddreg [dreg:$0x0]  }
0x2: {  	s7 =	stileid.u32;
	s6 =	rddreg [dreg:$0x1]  }
0x3: {  	s3 =	rddreg [dreg:$0x2];
	s4 =	simm.s32 $0x0;
	s19 =	simm.s32 $0x9E20  }
0x4: {  	s20 =	simm.s32 $0x5;
	s22 =	simm.s32 $0x50;
	s23 =	simm.s32 $0x4E20  }
0x5: {  	s24 =	simm.s32 $0x7620;
	s25 =	simm.s32 $0x1;
	s26 =	simm.s32 $0x2  }
0x6: {  	s28 =	simm.s32 $0x3;
	s29 =	simm.s32 $0x4;
	s31 =	simm.s32 $0x0  }
0x7: {  	s0 =	sand.u32 $0x1, s0;
	s2 =	sshll.u32 s7, $0x1;
	s5 =	smul.u32 $0x2710, s7  }
0x8: {  	[smem:$0x7FF] =	sst s4;
	s7 =	smul.u32 $0x4E200, s7;
	s2 =	sor.u32 s0, s2  }
0x9: {  	_ =	strace $0x8000004A;
	s8 =	smul.u32 $0x27100, s0;
	s0 =	ssub.s32 $0x2, s0  }
0xa: {  	s2 =	smul.u32 $0x4E2, s2;
	s7 =	sshrl.u32 s7, $0x2;
	s9 =	sshrl.u32 s0, $0x1  }
0xb: {  	s8 =	sadd.s32 s5, s8;
	s5 =	sadd.s32 s7, s3;
	s0 =	ssub.s32 s0, s9  }
0xc: {  	s2 =	sadd.s32 s2, s6;
	s10 =	sadd.s32 s8, s6;
	s6 =	sadd.s32 $0x12000, s5  }
0xd: {  	s11 =	sadd.s32 $0x2000, s5;
	s12 =	sadd.s32 $0x4000, s5;
	s13 =	sadd.s32 $0x6000, s5  }
0xe: {  	s14 =	sadd.s32 $0x8000, s5;
	s15 =	sadd.s32 $0xA000, s5;
	s16 =	sadd.s32 $0xC000, s5  }
0xf: {  	s17 =	sadd.s32 $0xE000, s5;
	s18 =	sadd.s32 $0x10000, s5;
	s7 =	sadd.s32 $0xB800, s2  }
0x10: {  	v0 =	vimm.f32 $0.0e+00;
	s8 =	sadd.s32 $0x1A00, s2;
	s9 =	sadd.s32 $0x16600, s10;
	s10 =	smax.u32 s0, $0x1  }
.LBB2_1:
0x11: {  	s0 =	sand.u32 $0x7E00, s4  }
0x12: {  	s21 =	sand.u32 $0x70, s4;
	s0 =	sshrl.u32 s0, $0x2  }
0x13: {  	s2 =	simm.s32 $0x40;
	s21 =	sor.u32 s21, s0;
	s0 =	simm.s32 $0x0  }
.LBB2_2:
0x14: {  	p0 =	sne.s32 s2, $0x7FC0  }
0x15: {  	[tilespmem:s21+$0x9E20] =	vst v0;
	s0 =	sadd.s32 $0x10, s0;
	s21 =	smov.u32 s2;
	s2 =	sadd.s32 $0x40, s2  }
.Ltmp0:
0x16: {  	(pc) =	sbr.rel @p0 .LBB2_2-.Ltmp0, $4  }
0x17: {  	_ = 	snop  }
0x18: {  	s21 =	sand.u32 $0x7E00, s21  }
0x19: {  	s30 =	sand.u32 $0x70, s0;
	s21 =	sshrl.u32 s21, $0x2  }
0x1a: {  	s21 =	sor.u32 s30, s21  }
0x1b: {  	[tilespmem:s21+$0x9E20] =	vst v0  }
0x1c: {  	[spmem:s5] =	stream.linear.scatter [tilespmem:s19], [sflag:$0x5], $0x2000, $0x38;
	[tilespmem:$0x1F6A0] =	vst v63  }
0x1d: {  	_ =	swait.ge [sflag:s20], $0x2000  }
0x1e: {  	[sflag:s20] =	ssyncset.done $0x0  }
0x1f: {  	[sflag:s20] =	ssyncadd.s32 $0xFFFFE000  }
0x20: {  	[spmem:s11] =	stream.linear.scatter [tilespmem:s19], [sflag:$0x5], $0x2000, $0x38;
	[tilespmem:$0x1F6A0] =	vst v63  }
0x21: {  	_ =	swait.ge [sflag:s20], $0x2000  }
0x22: {  	[sflag:s20] =	ssyncset.done $0x0  }
0x23: {  	[sflag:s20] =	ssyncadd.s32 $0xFFFFE000  }
0x24: {  	[spmem:s12] =	stream.linear.scatter [tilespmem:s19], [sflag:$0x5], $0x2000, $0x38;
	[tilespmem:$0x1F6A0] =	vst v63  }
0x25: {  	_ =	swait.ge [sflag:s20], $0x2000  }
0x26: {  	[sflag:s20] =	ssyncset.done $0x0  }
0x27: {  	[sflag:s20] =	ssyncadd.s32 $0xFFFFE000  }
0x28: {  	[spmem:s13] =	stream.linear.scatter [tilespmem:s19], [sflag:$0x5], $0x2000, $0x38;
	[tilespmem:$0x1F6A0] =	vst v63  }
0x29: {  	_ =	swait.ge [sflag:s20], $0x2000  }
0x2a: {  	[sflag:s20] =	ssyncset.done $0x0  }
0x2b: {  	[sflag:s20] =	ssyncadd.s32 $0xFFFFE000  }
0x2c: {  	[spmem:s14] =	stream.linear.scatter [tilespmem:s19], [sflag:$0x5], $0x2000, $0x38;
	[tilespmem:$0x1F6A0] =	vst v63  }
0x2d: {  	_ =	swait.ge [sflag:s20], $0x2000  }
0x2e: {  	[sflag:s20] =	ssyncset.done $0x0  }
0x2f: {  	[sflag:s20] =	ssyncadd.s32 $0xFFFFE000  }
0x30: {  	[spmem:s15] =	stream.linear.scatter [tilespmem:s19], [sflag:$0x5], $0x2000, $0x38;
	[tilespmem:$0x1F6A0] =	vst v63  }
0x31: {  	_ =	swait.ge [sflag:s20], $0x2000  }
0x32: {  	[sflag:s20] =	ssyncset.done $0x0  }
0x33: {  	[sflag:s20] =	ssyncadd.s32 $0xFFFFE000  }
0x34: {  	[spmem:s16] =	stream.linear.scatter [tilespmem:s19], [sflag:$0x5], $0x2000, $0x38;
	[tilespmem:$0x1F6A0] =	vst v63  }
0x35: {  	_ =	swait.ge [sflag:s20], $0x2000  }
0x36: {  	[sflag:s20] =	ssyncset.done $0x0  }
0x37: {  	[sflag:s20] =	ssyncadd.s32 $0xFFFFE000  }
0x38: {  	[spmem:s17] =	stream.linear.scatter [tilespmem:s19], [sflag:$0x5], $0x2000, $0x38;
	[tilespmem:$0x1F6A0] =	vst v63  }
0x39: {  	_ =	swait.ge [sflag:s20], $0x2000  }
0x3a: {  	[sflag:s20] =	ssyncset.done $0x0  }
0x3b: {  	[sflag:s20] =	ssyncadd.s32 $0xFFFFE000  }
0x3c: {  	[spmem:s18] =	stream.linear.scatter [tilespmem:s19], [sflag:$0x5], $0x2000, $0x38;
	[tilespmem:$0x1F6A0] =	vst v63  }
0x3d: {  	_ =	swait.ge [sflag:s20], $0x2000  }
0x3e: {  	[sflag:s20] =	ssyncset.done $0x0  }
0x3f: {  	[sflag:s20] =	ssyncadd.s32 $0xFFFFE000  }
0x40: {  	[spmem:s6] =	stream.linear.scatter [tilespmem:s19], [sflag:$0x5], $0x1880, $0x38;
	[tilespmem:$0x1F6A0] =	vst v63  }
0x41: {  	_ =	swait.ge [sflag:s20], $0x1880  }
0x42: {  	[sflag:s20] =	ssyncset.done $0x0  }
0x43: {  	s0 =	simm.s32 $0x0;
	[sflag:s20] =	ssyncadd.s32 $0xFFFFE780  }
0x44: {  	[tilespmem:s0], [sflag:$0x5] =	stream.linear.gather [hbm4b:s7+s0], $0x2710, $0x38;
	[tilespmem:$0x1F6A0] =	vst v63  }
0x45: {  	_ =	swait.ge [sflag:s20], $0x2710  }
0x46: {  	[sflag:s20] =	ssyncset.done $0x0  }
0x47: {  	s2 =	simm.s32 $0x2710;
	[sflag:s20] =	ssyncadd.s32 $0xFFFFD8F0  }
0x48: {  	[tilespmem:s2], [sflag:$0x5] =	stream.linear.gather [hbm4b:s8+s0], $0x2710, $0x38;
	[tilespmem:$0x1F6A0] =	vst v63  }
0x49: {  	_ =	swait.ge [sflag:s20], $0x2710  }
0x4a: {  	[sflag:s20] =	ssyncset.done $0x0  }
0x4b: {  	[sflag:s20] =	ssyncadd.s32 $0xFFFFD8F0  }
0x4c: {  	[bflag:$0x0] =	sbarrier.arrive $0xFFFF  }
0x4d: {  	[tilespmem:s23], [sflag:$0x1] =	stream.indirect.gather [hbm4b:s1+s22], $0x80, s0, s22, $0xb8;
	[tilespmem:$0x1F6A0] =	vst v63  }
0x4e: {  	_ = 	snop  }
0x4f: {  	[tilespmem:s24], [sflag:$0x2] =	stream.indirect.gather [hbm4b:s1+s22], $0x80, s22, s22, $0xb8;
	[tilespmem:$0x1F6A0] =	vst v63  }
0x50: {  	_ =	swait.ge [sflag:s25], $0x2800  }
0x51: {  	[sflag:s25] =	ssyncset.done $0x0  }
0x52: {  	s2 =	simm.s32 $0x2710;
	[sflag:s25] =	ssyncadd.s32 $0xFFFFD800  }
0x53: {  	[spmem:s3] =	stream.indirect.scatter.add.f32 [tilespmem:s23], [sflag:$0x3], $0x80, s2, s22, $0xb8;
	[tilespmem:$0x1F6A0] =	vst v63  }
0x54: {  	_ =	swait.ge [sflag:s26], $0x2800  }
0x55: {  	[sflag:s26] =	ssyncset.done $0x0  }
0x56: {  	s21 =	simm.s32 $0x2760;
	[sflag:s26] =	ssyncadd.s32 $0xFFFFD800  }
0x57: {  	[spmem:s3] =	stream.indirect.scatter.add.f32 [tilespmem:s24], [sflag:$0x4], $0x80, s21, s22, $0xb8;
	[tilespmem:$0x1F6A0] =	vst v63  }
0x58: {  	_ =	swait.ge [sflag:s28], $0x2800  }
0x59: {  	[sflag:s28] =	ssyncset.done $0x0  }
0x5a: {  	s30 =	simm.s32 $0xA0;
	[sflag:s28] =	ssyncadd.s32 $0xFFFFD800  }
0x5b: {  	[tilespmem:s23], [sflag:$0x1] =	stream.indirect.gather [hbm4b:s1+s22], $0x80, s30, s22, $0xb8;
	[tilespmem:$0x1F6A0] =	vst v63  }
0x5c: {  	_ =	swait.ge [sflag:s29], $0x2800  }
0x5d: {  	[sflag:s29] =	ssyncset.done $0x0  }
0x5e: {  	s0 =	simm.s32 $0xF0;
	s2 =	simm.s32 $0x280;
	[sflag:s29] =	ssyncadd.s32 $0xFFFFD800  }
.LBB2_4:
0x5f: {  	[tilespmem:s24], [sflag:$0x2] =	stream.indirect.gather [hbm4b:s1+s22], $0x80, s0, s22, $0xb8;
	[tilespmem:$0x1F6A0] =	vst v63  }
0x60: {  	s0 =	smov.u32 s2;
	s2 =	sadd.s32 $0x280, s2;
	_ =	swait.ge [sflag:s25], $0x2800  }
0x61: {  	s0 =	sshra.s32 s0, $0x2;
	p0 =	sne.s32 s2, $0x9880;
	[sflag:s25] =	ssyncset.done $0x0  }
0x62: {  	s21 =	sadd.s32 $0x2710, s0;
	[sflag:s25] =	ssyncadd.s32 $0xFFFFD800  }
0x63: {  	[spmem:s3] =	stream.indirect.scatter.add.f32 [tilespmem:s23], [sflag:$0x3], $0x80, s21, s22, $0xb8;
	[tilespmem:$0x1F6A0] =	vst v63  }
0x64: {  	_ =	swait.ge [sflag:s26], $0x2800  }
0x65: {  	[sflag:s26] =	ssyncset.done $0x0  }
0x66: {  	s21 =	sadd.s32 $0x2760, s0;
	[sflag:s26] =	ssyncadd.s32 $0xFFFFD800  }
0x67: {  	[spmem:s3] =	stream.indirect.scatter.add.f32 [tilespmem:s24], [sflag:$0x4], $0x80, s21, s22, $0xb8;
	[tilespmem:$0x1F6A0] =	vst v63  }
0x68: {  	_ =	swait.ge [sflag:s28], $0x2800  }
0x69: {  	[sflag:s28] =	ssyncset.done $0x0  }
.Ltmp1:
0x6a: {  	s21 =	sadd.s32 $0xA0, s0;
	[sflag:s28] =	ssyncadd.s32 $0xFFFFD800;
	(pc) =	sbr.rel @p0 .LBB2_4-.Ltmp1, $4  }
0x6b: {  	[tilespmem:s23], [sflag:$0x1] =	stream.indirect.gather [hbm4b:s1+s22], $0x80, s21, s22, $0xb8;
	[tilespmem:$0x1F6A0] =	vst v63  }
0x6c: {  	_ =	swait.ge [sflag:s29], $0x2800  }
0x6d: {  	[sflag:s29] =	ssyncset.done $0x0  }
0x6e: {  	s0 =	sadd.s32 $0xF0, s0;
	[sflag:s29] =	ssyncadd.s32 $0xFFFFD800  }
0x6f: {  	[tilespmem:s24], [sflag:$0x2] =	stream.indirect.gather [hbm4b:s1+s22], $0x80, s0, s22, $0xb8;
	[tilespmem:$0x1F6A0] =	vst v63  }
0x70: {  	_ =	swait.ge [sflag:s25], $0x2800  }
0x71: {  	s21 =	sshra.s32 s2, $0x2;
	[sflag:s25] =	ssyncset.done $0x0  }
0x72: {  	s2 =	sadd.s32 $0x2710, s21;
	[sflag:s25] =	ssyncadd.s32 $0xFFFFD800  }
0x73: {  	[spmem:s3] =	stream.indirect.scatter.add.f32 [tilespmem:s23], [sflag:$0x3], $0x80, s2, s22, $0xb8;
	[tilespmem:$0x1F6A0] =	vst v63  }
0x74: {  	_ =	swait.ge [sflag:s26], $0x2800  }
0x75: {  	[sflag:s26] =	ssyncset.done $0x0  }
0x76: {  	s30 =	sadd.s32 $0x2760, s21;
	[sflag:s26] =	ssyncadd.s32 $0xFFFFD800  }
0x77: {  	[spmem:s3] =	stream.indirect.scatter.add.f32 [tilespmem:s24], [sflag:$0x4], $0x80, s30, s22, $0xb8;
	[tilespmem:$0x1F6A0] =	vst v63  }
0x78: {  	_ =	swait.ge [sflag:s28], $0x2800  }
0x79: {  	[sflag:s28] =	ssyncset.done $0x0  }
0x7a: {  	s0 =	sadd.s32 $0xA0, s21;
	[sflag:s28] =	ssyncadd.s32 $0xFFFFD800  }
0x7b: {  	[tilespmem:s23], [sflag:$0x1] =	stream.indirect.gather [hbm4b:s1+s22], $0x80, s0, s22, $0xb8;
	[tilespmem:$0x1F6A0] =	vst v63  }
0x7c: {  	_ =	swait.ge [sflag:s29], $0x2800  }
0x7d: {  	[sflag:s29] =	ssyncset.done $0x0  }
0x7e: {  	[sflag:s29] =	ssyncadd.s32 $0xFFFFD800  }
0x7f: {  	_ =	swait.ge [sflag:s25], $0x2800  }
0x80: {  	[sflag:s25] =	ssyncset.done $0x0  }
0x81: {  	s2 =	simm.s32 $0x4DD0;
	[sflag:s25] =	ssyncadd.s32 $0xFFFFD800  }
0x82: {  	[spmem:s3] =	stream.indirect.scatter.add.f32 [tilespmem:s23], [sflag:$0x3], $0x80, s2, s22, $0xb8;
	[tilespmem:$0x1F6A0] =	vst v63  }
0x83: {  	s31 =	sadd.s32 $0x1, s31;
	_ =	swait.ge [sflag:s28], $0x2800  }
0x84: {  	s21 =	stileid.u32;
	p0 =	sne.s32 s31, s10;
	[sflag:s28] =	ssyncset.done $0x0  }
0x85: {  	s30 =	sshrl.u32 s5, $0x3;
	s0 =	sshll.u32 s21, $0x6;
	[sflag:s28] =	ssyncadd.s32 $0xFFFFD800  }
.Ltmp2:
0x86: {  	s0 =	sor.u32 $0x1C05, s0;
	[bflag:$0x0] =	sbarrier.arrive $0xFFFF;
	(pc) =	sbr.rel @p0 .LBB2_1-.Ltmp2, $4  }
0x87: {  	[hbm:s9], [sflag:s0] =	dma.local [spmem:s30], $0x2710  }
0x88: {  	_ =	swait.ge [sflag:s20], $0x2710  }
0x89: {  	[sflag:s20] =	ssyncset.done $0x0  }
0x8a: {  	[sflag:s20] =	ssyncadd.s32 $0xFFFFD8F0  }
0x8b: {  	_ =	sfence.sel $0x180000  }
0x8c: {  	[bflag:$0x0] =	sbarrier.arrive $0xFFFF  }
0x8d: {  	_ =	strace $0x9000004A  }
0x8e: {  	s0 =	stileid.u32;
	[bflag:$0x2] =	sbarrier.arrive $0xFFFF  }
0x8f: {  	p0 =	sne.s32 s0, $0x0;
	s0 =	rddreg [dreg:$0x3]  }
0x90: {  	s0 =	sadd.s32 @!p0 $0x100000, s0  }
0x91: {  	[sflag:s0] =	ssyncadd.tile.s32 @!p0 $0x1;
	_ =	shalt  }
.Lfunc_end2:
_tile_overlayer_lowered:
.L_overlay_start_2:
0x92: {  	(tag) =	ssettag $0x2  }
0x93: {  	s0 =	rddreg [dreg:$0x0];
	s2 =	stileid.u32  }
0x94: {  	s1 =	rddreg [dreg:$0x1];
	p0 =	sne.s32 s2, $0x0  }
0x95: {  	s3 =	rddreg [dreg:$0x2];
	[bflag:$0x3] =	sbarrier.arrive $0xFFFF;
	s2 =	simm.s32 @!p0 $0x1C05  }
0x96: {  	[timem:s3], [sflag:s2] =	dma.local @!p0 [hbm:s0], s1  }
0x97: {  	s0 =	simm.s32 @!p0 $0x5  }
0x98: {  	_ =	swait.ge @!p0 [sflag:s0], s1  }
0x99: {  	s1 =	ssub.s32 @!p0 $0x0, s1;
	[sflag:s0] =	ssyncset.done @!p0 $0x0  }
0x9a: {  	[sflag:s0] =	ssyncadd.s32 @!p0 s1  }
0x9b: {  	[bflag:$0x3] =	sbarrier.arrive $0xFFFF  }
0x9c: {  	_ =	shalt  }

</sc_bundles>
